<compile_context>
chip_gen: v7x
topology: tpu7x:2x2x1
jax: 0.10.2.dev20260603
libtpu: 0.0.44.dev20260713+nightly
codegen_flags: <defaults>
</compile_context>

<pallas_src>
import functools

import jax
import jax.numpy as jnp
from jax import lax
from jax.experimental import pallas as pl
from jax.experimental.pallas import tpu as pltpu
from jax.experimental.pallas import tpu_sc as plsc

_D = 64
_NC = 2
_NS = 16
_NW = _NC * _NS
_CHUNK = 128
_NBUF = 4
_LEAD = 2


@functools.lru_cache(maxsize=None)
def _make_gather(n_total: int):
    per_w = n_total // _NW
    n_chunk = per_w // _CHUNK
    assert n_chunk % _NBUF == 0 and n_chunk >= 2 * _NBUF
    mesh = plsc.VectorSubcoreMesh(core_axis_name="c", subcore_axis_name="s")

    @functools.partial(
        pl.kernel,
        mesh=mesh,
        out_type=jax.ShapeDtypeStruct((n_total, _D), jnp.float32),
        scratch_types=[
            pltpu.VMEM((n_chunk, _CHUNK), jnp.int32),
            pltpu.VMEM((_NBUF, _CHUNK, _D), jnp.float32),
            pltpu.SemaphoreType.DMA((_NBUF,)),
            pltpu.SemaphoreType.DMA((_NBUF,)),
        ],
        compiler_params=pltpu.CompilerParams(use_tc_tiling_on_sc=False),
    )
    def k(idx_hbm, table_hbm, out_hbm, idx_v, rows_v, gsem, ssem):
        wid = lax.axis_index("s") * _NC + lax.axis_index("c")
        base = wid * per_w
        pltpu.sync_copy(idx_hbm.at[wid], idx_v)

        def fire_gather(j, b):
            pltpu.async_copy(table_hbm.at[idx_v.at[j]], rows_v.at[b], gsem.at[b])

        def wait_gather(b):
            pltpu.make_async_copy(
                table_hbm.at[pl.ds(0, _CHUNK)], rows_v.at[b], gsem.at[b]
            ).wait()

        def fire_store(j, b):
            pltpu.async_copy(
                rows_v.at[b], out_hbm.at[pl.ds(base + j * _CHUNK, _CHUNK)], ssem.at[b]
            )

        def wait_store(b):
            pltpu.make_async_copy(
                rows_v.at[b], out_hbm.at[pl.ds(base, _CHUNK)], ssem.at[b]
            ).wait()

        for j in range(_LEAD):
            fire_gather(j, j % _NBUF)
        for j in range(_NBUF):
            b = j % _NBUF
            b2 = (j + _LEAD) % _NBUF
            if j + _LEAD >= _NBUF:
                wait_store(b2)
            fire_gather(j + _LEAD, b2)
            wait_gather(b)
            fire_store(j, b)

        def body(outer, _):
            for b in range(_NBUF):
                j = outer * _NBUF + b
                b2 = (b + _LEAD) % _NBUF
                wait_store(b2)
                fire_gather(j + _LEAD, b2)
                wait_gather(b)
                fire_store(j, b)
            return 0

        lax.fori_loop(1, n_chunk // _NBUF - 1, body, 0, unroll=False)

        for j in range(n_chunk - _NBUF, n_chunk):
            b = j % _NBUF
            b2 = (j + _LEAD) % _NBUF
            if j + _LEAD < n_chunk:
                wait_store(b2)
                fire_gather(j + _LEAD, b2)
            wait_gather(b)
            fire_store(j, b)
        for b in range(_NBUF):
            wait_store(b)

    return k


def kernel(inputs, embedding):
    b, h = inputs.shape
    n = b * h
    idx = inputs.reshape(_NW, n // _NW // _CHUNK, _CHUNK).astype(jnp.int32)
    out = _make_gather(n)(idx, embedding)
    return out.reshape(b, h, _D)

# --- scband reference (transcript-rebuilt; emitter-appended) ---
"""Pipeline reference for scband-embed-74629351735555 (READ-ONLY COPY).

The authoritative reference and input builder live on the scoring server;
editing this copy changes nothing except your own understanding.
"""

import jax, jax.numpy as jnp
import numpy as np

NUM_EMBEDDINGS = 1000000
FEATURES = 64
BATCH = 16384
HIST_LEN = 50


def setup_inputs(seed: int = 0) -> dict:
    key = jax.random.key(seed)
    k_idx, k_emb = jax.random.split(key)
    inputs = jax.random.randint(k_idx, (BATCH, HIST_LEN), 0, NUM_EMBEDDINGS, dtype=jnp.int64 if jax.config.read('jax_enable_x64') else jnp.int32)
    # embedding param initialized with normal(stddev=1.0), matching nn.initializers.normal(stddev=1.0)
    embedding = jax.random.normal(k_emb, (NUM_EMBEDDINGS, FEATURES), dtype=jnp.float32) * 1.0
    return {"inputs": inputs, "embedding": embedding}


def reference(inputs, embedding):
    # mode == 'input': gather rows of the embedding table
    if inputs.dtype not in (jnp.int32, jnp.int64, jnp.uint32, jnp.uint64):
        raise ValueError('Input type must be an integer or unsigned integer.')
    return jnp.take(embedding, inputs, axis=0)

if __name__ == "__main__":
    import jax
    _d = setup_inputs()
    print(jax.jit(kernel)(*tuple(_d.values())))

</pallas_src>

<mosaic_0001>
#map = affine_map<(d0, d1) -> (0, 0, 0)>
#map1 = affine_map<(d0, d1) -> (0, 0)>
module attributes {stable_mosaic.version = 14 : i64} {
  func.func @k(%arg0: i32, %arg1: i32, %arg2: memref<32x200x128xi32, #tpu.memory_space<hbm>>, %arg3: memref<1000000x64xf32, #tpu.memory_space<hbm>>, %arg4: memref<819200x64xf32, #tpu.memory_space<hbm>>, %arg5: memref<200x128xi32, #tpu.memory_space<vmem>>, %arg6: memref<4x128x64xf32, #tpu.memory_space<vmem>>, %arg7: memref<4x!tpu.dma_semaphore, #tpu.memory_space<semaphore_mem>>, %arg8: memref<4x!tpu.dma_semaphore, #tpu.memory_space<semaphore_mem>>) attributes {dimension_semantics = [#tpu.dimension_semantics<core_parallel>, #tpu.dimension_semantics<subcore_parallel>], iteration_bounds = array<i64: 2, 16>, scalar_prefetch = 0 : i64, scratch_operands = 4 : i64, tpu.core_type = #tpu.core_type<sc_vector_subcore>, window_params = [{transform_indices = #map}, {transform_indices = #map1}, {transform_indices = #map1}]} {
    %mul3A = arith.constant 2 : i32
    %mul3A_0 = arith.muli %arg1, %mul3A : i32
    %add3A = arith.addi %mul3A_0, %arg0 : i32
    %mul3A_1 = arith.constant 25600 : i32
    %mul3A_2 = arith.muli %add3A, %mul3A_1 : i32
    "tpu.region"() ({
      %run_scoped3A = tpu.sem_alloc : memref<!tpu.dma_semaphore, #tpu.memory_space<semaphore_mem>>
      %dma_start3A_543 = arith.constant 0 : i32
      %dma_start3A_544 = arith.constant 0 : i32
      %dma_start3A_545 = tpu.memref_slice %arg2[%add3A, %dma_start3A_543, %dma_start3A_544] : memref<32x200x128xi32, #tpu.memory_space<hbm>> -> memref<1x200x128xi32, #tpu.memory_space<hbm>>
      %dma_start3A_546 = tpu.memref_squeeze %dma_start3A_545 : memref<1x200x128xi32, #tpu.memory_space<hbm>> -> memref<200x128xi32, #tpu.memory_space<hbm>>
      %dma_start3A_547 = arith.constant 0 : i32
      %dma_start3A_548 = arith.constant 0 : i32
      %dma_start3A_549 = tpu.memref_slice %arg2[%add3A, %dma_start3A_547, %dma_start3A_548] : memref<32x200x128xi32, #tpu.memory_space<hbm>> -> memref<1x200x128xi32, #tpu.memory_space<hbm>>
      %dma_start3A_550 = tpu.memref_squeeze %dma_start3A_549 : memref<1x200x128xi32, #tpu.memory_space<hbm>> -> memref<200x128xi32, #tpu.memory_space<hbm>>
      tpu.enqueue_dma source(%dma_start3A_550 : memref<200x128xi32, #tpu.memory_space<hbm>>) target(%arg5 : memref<200x128xi32, #tpu.memory_space<vmem>>) target_semaphore(%run_scoped3A : memref<!tpu.dma_semaphore, #tpu.memory_space<semaphore_mem>>)
      %dma_wait3A_551 = arith.constant 0 : i32
      %dma_wait3A_552 = arith.constant 0 : i32
      %dma_wait3A_553 = tpu.memref_slice %arg2[%add3A, %dma_wait3A_551, %dma_wait3A_552] : memref<32x200x128xi32, #tpu.memory_space<hbm>> -> memref<1x200x128xi32, #tpu.memory_space<hbm>>
      %dma_wait3A_554 = tpu.memref_squeeze %dma_wait3A_553 : memref<1x200x128xi32, #tpu.memory_space<hbm>> -> memref<200x128xi32, #tpu.memory_space<hbm>>
      %dma_wait3A_555 = arith.constant 0 : i32
      %dma_wait3A_556 = arith.constant 0 : i32
      %dma_wait3A_557 = tpu.memref_slice %arg2[%add3A, %dma_wait3A_555, %dma_wait3A_556] : memref<32x200x128xi32, #tpu.memory_space<hbm>> -> memref<1x200x128xi32, #tpu.memory_space<hbm>>
      %dma_wait3A_558 = tpu.memref_squeeze %dma_wait3A_557 : memref<1x200x128xi32, #tpu.memory_space<hbm>> -> memref<200x128xi32, #tpu.memory_space<hbm>>
      tpu.wait_dma2 semaphore(%run_scoped3A : memref<!tpu.dma_semaphore, #tpu.memory_space<semaphore_mem>>) src(%dma_wait3A_558 : memref<200x128xi32, #tpu.memory_space<hbm>>) dst(%arg5 : memref<200x128xi32, #tpu.memory_space<vmem>>)
      tpu.yield
    }) : () -> ()
    %dma_start3A = arith.constant 0 : i32
    %dma_start3A_3 = arith.constant 0 : i32
    %dma_start3A_4 = arith.constant 0 : i32
    %dma_start3A_5 = arith.constant 0 : i32
    %dma_start3A_6 = arith.constant 0 : i32
    %dma_start3A_7 = tpu.memref_slice %arg6[%dma_start3A_3, %dma_start3A_5, %dma_start3A_6] : memref<4x128x64xf32, #tpu.memory_space<vmem>> -> memref<1x128x64xf32, #tpu.memory_space<vmem>>
    %dma_start3A_8 = tpu.memref_squeeze %dma_start3A_7 : memref<1x128x64xf32, #tpu.memory_space<vmem>> -> memref<128x64xf32, #tpu.memory_space<vmem>>
    %dma_start3A_9 = arith.constant 0 : i32
    %dma_start3A_10 = tpu.memref_slice %arg5[%dma_start3A, %dma_start3A_9] : memref<200x128xi32, #tpu.memory_space<vmem>> -> memref<1x128xi32, #tpu.memory_space<vmem>>
    %dma_start3A_11 = tpu.memref_squeeze %dma_start3A_10 : memref<1x128xi32, #tpu.memory_space<vmem>> -> memref<128xi32, #tpu.memory_space<vmem>>
    %dma_start3A_12 = arith.constant 0 : i32
    %dma_start3A_13 = arith.constant 0 : i32
    %dma_start3A_14 = tpu.memref_slice %arg3[%dma_start3A_12, %dma_start3A_13] : memref<1000000x64xf32, #tpu.memory_space<hbm>> -> memref<1000000x64xf32, #tpu.memory_space<hbm>>
    %dma_start3A_15 = tpu.memref_slice %arg7[%dma_start3A_4] : memref<4x!tpu.dma_semaphore, #tpu.memory_space<semaphore_mem>> -> memref<1x!tpu.dma_semaphore, #tpu.memory_space<semaphore_mem>>
    %dma_start3A_16 = tpu.memref_squeeze %dma_start3A_15 : memref<1x!tpu.dma_semaphore, #tpu.memory_space<semaphore_mem>> -> memref<!tpu.dma_semaphore, #tpu.memory_space<semaphore_mem>>
    tpu.enqueue_indirect_dma source(%dma_start3A_14 : memref<1000000x64xf32, #tpu.memory_space<hbm>>) target(%dma_start3A_8 : memref<128x64xf32, #tpu.memory_space<vmem>>) offsets(%dma_start3A_11 : memref<128xi32, #tpu.memory_space<vmem>>) semaphore(%dma_start3A_16 : memref<!tpu.dma_semaphore, #tpu.memory_space<semaphore_mem>>)
    %dma_start3A_17 = arith.constant 1 : i32
    %dma_start3A_18 = arith.constant 1 : i32
    %dma_start3A_19 = arith.constant 1 : i32
    %dma_start3A_20 = arith.constant 0 : i32
    %dma_start3A_21 = arith.constant 0 : i32
    %dma_start3A_22 = tpu.memref_slice %arg6[%dma_start3A_18, %dma_start3A_20, %dma_start3A_21] : memref<4x128x64xf32, #tpu.memory_space<vmem>> -> memref<1x128x64xf32, #tpu.memory_space<vmem>>
    %dma_start3A_23 = tpu.memref_squeeze %dma_start3A_22 : memref<1x128x64xf32, #tpu.memory_space<vmem>> -> memref<128x64xf32, #tpu.memory_space<vmem>>
    %dma_start3A_24 = arith.constant 0 : i32
    %dma_start3A_25 = tpu.memref_slice %arg5[%dma_start3A_17, %dma_start3A_24] : memref<200x128xi32, #tpu.memory_space<vmem>> -> memref<1x128xi32, #tpu.memory_space<vmem>>
    %dma_start3A_26 = tpu.memref_squeeze %dma_start3A_25 : memref<1x128xi32, #tpu.memory_space<vmem>> -> memref<128xi32, #tpu.memory_space<vmem>>
    %dma_start3A_27 = arith.constant 0 : i32
    %dma_start3A_28 = arith.constant 0 : i32
    %dma_start3A_29 = tpu.memref_slice %arg3[%dma_start3A_27, %dma_start3A_28] : memref<1000000x64xf32, #tpu.memory_space<hbm>> -> memref<1000000x64xf32, #tpu.memory_space<hbm>>
    %dma_start3A_30 = tpu.memref_slice %arg7[%dma_start3A_19] : memref<4x!tpu.dma_semaphore, #tpu.memory_space<semaphore_mem>> -> memref<1x!tpu.dma_semaphore, #tpu.memory_space<semaphore_mem>>
    %dma_start3A_31 = tpu.memref_squeeze %dma_start3A_30 : memref<1x!tpu.dma_semaphore, #tpu.memory_space<semaphore_mem>> -> memref<!tpu.dma_semaphore, #tpu.memory_space<semaphore_mem>>
    tpu.enqueue_indirect_dma source(%dma_start3A_29 : memref<1000000x64xf32, #tpu.memory_space<hbm>>) target(%dma_start3A_23 : memref<128x64xf32, #tpu.memory_space<vmem>>) offsets(%dma_start3A_26 : memref<128xi32, #tpu.memory_space<vmem>>) semaphore(%dma_start3A_31 : memref<!tpu.dma_semaphore, #tpu.memory_space<semaphore_mem>>)
    %dma_start3A_32 = arith.constant 2 : i32
    %dma_start3A_33 = arith.constant 2 : i32
    %dma_start3A_34 = arith.constant 2 : i32
    %dma_start3A_35 = arith.constant 0 : i32
    %dma_start3A_36 = arith.constant 0 : i32
    %dma_start3A_37 = tpu.memref_slice %arg6[%dma_start3A_33, %dma_start3A_35, %dma_start3A_36] : memref<4x128x64xf32, #tpu.memory_space<vmem>> -> memref<1x128x64xf32, #tpu.memory_space<vmem>>
    %dma_start3A_38 = tpu.memref_squeeze %dma_start3A_37 : memref<1x128x64xf32, #tpu.memory_space<vmem>> -> memref<128x64xf32, #tpu.memory_space<vmem>>
    %dma_start3A_39 = arith.constant 0 : i32
    %dma_start3A_40 = tpu.memref_slice %arg5[%dma_start3A_32, %dma_start3A_39] : memref<200x128xi32, #tpu.memory_space<vmem>> -> memref<1x128xi32, #tpu.memory_space<vmem>>
    %dma_start3A_41 = tpu.memref_squeeze %dma_start3A_40 : memref<1x128xi32, #tpu.memory_space<vmem>> -> memref<128xi32, #tpu.memory_space<vmem>>
    %dma_start3A_42 = arith.constant 0 : i32
    %dma_start3A_43 = arith.constant 0 : i32
    %dma_start3A_44 = tpu.memref_slice %arg3[%dma_start3A_42, %dma_start3A_43] : memref<1000000x64xf32, #tpu.memory_space<hbm>> -> memref<1000000x64xf32, #tpu.memory_space<hbm>>
    %dma_start3A_45 = tpu.memref_slice %arg7[%dma_start3A_34] : memref<4x!tpu.dma_semaphore, #tpu.memory_space<semaphore_mem>> -> memref<1x!tpu.dma_semaphore, #tpu.memory_space<semaphore_mem>>
    %dma_start3A_46 = tpu.memref_squeeze %dma_start3A_45 : memref<1x!tpu.dma_semaphore, #tpu.memory_space<semaphore_mem>> -> memref<!tpu.dma_semaphore, #tpu.memory_space<semaphore_mem>>
    tpu.enqueue_indirect_dma source(%dma_start3A_44 : memref<1000000x64xf32, #tpu.memory_space<hbm>>) target(%dma_start3A_38 : memref<128x64xf32, #tpu.memory_space<vmem>>) offsets(%dma_start3A_41 : memref<128xi32, #tpu.memory_space<vmem>>) semaphore(%dma_start3A_46 : memref<!tpu.dma_semaphore, #tpu.memory_space<semaphore_mem>>)
    %dma_wait3A = arith.constant 0 : i32
    %dma_wait3A_47 = arith.constant 0 : i32
    %dma_wait3A_48 = arith.constant 0 : i32
    %dma_wait3A_49 = arith.constant 0 : i32
    %dma_wait3A_50 = tpu.memref_slice %arg6[%dma_wait3A, %dma_wait3A_48, %dma_wait3A_49] : memref<4x128x64xf32, #tpu.memory_space<vmem>> -> memref<1x128x64xf32, #tpu.memory_space<vmem>>
    %dma_wait3A_51 = tpu.memref_squeeze %dma_wait3A_50 : memref<1x128x64xf32, #tpu.memory_space<vmem>> -> memref<128x64xf32, #tpu.memory_space<vmem>>
    %dma_wait3A_52 = arith.constant 0 : i32
    %dma_wait3A_53 = arith.constant 0 : i32
    %dma_wait3A_54 = tpu.memref_slice %arg3[%dma_wait3A_52, %dma_wait3A_53] : memref<1000000x64xf32, #tpu.memory_space<hbm>> -> memref<128x64xf32, #tpu.memory_space<hbm>>
    %dma_wait3A_55 = tpu.memref_slice %arg7[%dma_wait3A_47] : memref<4x!tpu.dma_semaphore, #tpu.memory_space<semaphore_mem>> -> memref<1x!tpu.dma_semaphore, #tpu.memory_space<semaphore_mem>>
    %dma_wait3A_56 = tpu.memref_squeeze %dma_wait3A_55 : memref<1x!tpu.dma_semaphore, #tpu.memory_space<semaphore_mem>> -> memref<!tpu.dma_semaphore, #tpu.memory_space<semaphore_mem>>
    %dma_wait3A_57 = arith.constant 0 : i32
    %dma_wait3A_58 = arith.constant 0 : i32
    %dma_wait3A_59 = tpu.memref_slice %arg6[%dma_wait3A, %dma_wait3A_57, %dma_wait3A_58] : memref<4x128x64xf32, #tpu.memory_space<vmem>> -> memref<1x128x64xf32, #tpu.memory_space<vmem>>
    %dma_wait3A_60 = tpu.memref_squeeze %dma_wait3A_59 : memref<1x128x64xf32, #tpu.memory_space<vmem>> -> memref<128x64xf32, #tpu.memory_space<vmem>>
    %dma_wait3A_61 = arith.constant 0 : i32
    %dma_wait3A_62 = arith.constant 0 : i32
    %dma_wait3A_63 = tpu.memref_slice %arg3[%dma_wait3A_61, %dma_wait3A_62] : memref<1000000x64xf32, #tpu.memory_space<hbm>> -> memref<128x64xf32, #tpu.memory_space<hbm>>
    tpu.wait_dma2 semaphore(%dma_wait3A_56 : memref<!tpu.dma_semaphore, #tpu.memory_space<semaphore_mem>>) src(%dma_wait3A_63 : memref<128x64xf32, #tpu.memory_space<hbm>>) dst(%dma_wait3A_60 : memref<128x64xf32, #tpu.memory_space<vmem>>)
    %add3A_64 = arith.constant 0 : i32
    %add3A_65 = arith.addi %mul3A_2, %add3A_64 : i32
    %dma_start3A_66 = arith.constant 0 : i32
    %dma_start3A_67 = arith.constant 0 : i32
    %dma_start3A_68 = arith.constant 0 : i32
    %dma_start3A_69 = arith.constant 0 : i32
    %dma_start3A_70 = tpu.memref_slice %arg6[%dma_start3A_66, %dma_start3A_68, %dma_start3A_69] : memref<4x128x64xf32, #tpu.memory_space<vmem>> -> memref<1x128x64xf32, #tpu.memory_space<vmem>>
    %dma_start3A_71 = tpu.memref_squeeze %dma_start3A_70 : memref<1x128x64xf32, #tpu.memory_space<vmem>> -> memref<128x64xf32, #tpu.memory_space<vmem>>
    %dma_start3A_72 = arith.constant 0 : i32
    %dma_start3A_73 = tpu.memref_slice %arg4[%add3A_65, %dma_start3A_72] : memref<819200x64xf32, #tpu.memory_space<hbm>> -> memref<128x64xf32, #tpu.memory_space<hbm>>
    %dma_start3A_74 = tpu.memref_slice %arg8[%dma_start3A_67] : memref<4x!tpu.dma_semaphore, #tpu.memory_space<semaphore_mem>> -> memref<1x!tpu.dma_semaphore, #tpu.memory_space<semaphore_mem>>
    %dma_start3A_75 = tpu.memref_squeeze %dma_start3A_74 : memref<1x!tpu.dma_semaphore, #tpu.memory_space<semaphore_mem>> -> memref<!tpu.dma_semaphore, #tpu.memory_space<semaphore_mem>>
    %dma_start3A_76 = arith.constant 0 : i32
    %dma_start3A_77 = tpu.memref_slice %arg4[%add3A_65, %dma_start3A_76] : memref<819200x64xf32, #tpu.memory_space<hbm>> -> memref<128x64xf32, #tpu.memory_space<hbm>>
    %dma_start3A_78 = arith.constant 0 : i32
    %dma_start3A_79 = arith.constant 0 : i32
    %dma_start3A_80 = tpu.memref_slice %arg6[%dma_start3A_66, %dma_start3A_78, %dma_start3A_79] : memref<4x128x64xf32, #tpu.memory_space<vmem>> -> memref<1x128x64xf32, #tpu.memory_space<vmem>>
    %dma_start3A_81 = tpu.memref_squeeze %dma_start3A_80 : memref<1x128x64xf32, #tpu.memory_space<vmem>> -> memref<128x64xf32, #tpu.memory_space<vmem>>
    tpu.enqueue_dma source(%dma_start3A_81 : memref<128x64xf32, #tpu.memory_space<vmem>>) target(%dma_start3A_77 : memref<128x64xf32, #tpu.memory_space<hbm>>) target_semaphore(%dma_start3A_75 : memref<!tpu.dma_semaphore, #tpu.memory_space<semaphore_mem>>)
    %dma_start3A_82 = arith.constant 3 : i32
    %dma_start3A_83 = arith.constant 3 : i32
    %dma_start3A_84 = arith.constant 3 : i32
    %dma_start3A_85 = arith.constant 0 : i32
    %dma_start3A_86 = arith.constant 0 : i32
    %dma_start3A_87 = tpu.memref_slice %arg6[%dma_start3A_83, %dma_start3A_85, %dma_start3A_86] : memref<4x128x64xf32, #tpu.memory_space<vmem>> -> memref<1x128x64xf32, #tpu.memory_space<vmem>>
    %dma_start3A_88 = tpu.memref_squeeze %dma_start3A_87 : memref<1x128x64xf32, #tpu.memory_space<vmem>> -> memref<128x64xf32, #tpu.memory_space<vmem>>
    %dma_start3A_89 = arith.constant 0 : i32
    %dma_start3A_90 = tpu.memref_slice %arg5[%dma_start3A_82, %dma_start3A_89] : memref<200x128xi32, #tpu.memory_space<vmem>> -> memref<1x128xi32, #tpu.memory_space<vmem>>
    %dma_start3A_91 = tpu.memref_squeeze %dma_start3A_90 : memref<1x128xi32, #tpu.memory_space<vmem>> -> memref<128xi32, #tpu.memory_space<vmem>>
    %dma_start3A_92 = arith.constant 0 : i32
    %dma_start3A_93 = arith.constant 0 : i32
    %dma_start3A_94 = tpu.memref_slice %arg3[%dma_start3A_92, %dma_start3A_93] : memref<1000000x64xf32, #tpu.memory_space<hbm>> -> memref<1000000x64xf32, #tpu.memory_space<hbm>>
    %dma_start3A_95 = tpu.memref_slice %arg7[%dma_start3A_84] : memref<4x!tpu.dma_semaphore, #tpu.memory_space<semaphore_mem>> -> memref<1x!tpu.dma_semaphore, #tpu.memory_space<semaphore_mem>>
    %dma_start3A_96 = tpu.memref_squeeze %dma_start3A_95 : memref<1x!tpu.dma_semaphore, #tpu.memory_space<semaphore_mem>> -> memref<!tpu.dma_semaphore, #tpu.memory_space<semaphore_mem>>
    tpu.enqueue_indirect_dma source(%dma_start3A_94 : memref<1000000x64xf32, #tpu.memory_space<hbm>>) target(%dma_start3A_88 : memref<128x64xf32, #tpu.memory_space<vmem>>) offsets(%dma_start3A_91 : memref<128xi32, #tpu.memory_space<vmem>>) semaphore(%dma_start3A_96 : memref<!tpu.dma_semaphore, #tpu.memory_space<semaphore_mem>>)
    %dma_wait3A_97 = arith.constant 1 : i32
    %dma_wait3A_98 = arith.constant 1 : i32
    %dma_wait3A_99 = arith.constant 0 : i32
    %dma_wait3A_100 = arith.constant 0 : i32
    %dma_wait3A_101 = tpu.memref_slice %arg6[%dma_wait3A_97, %dma_wait3A_99, %dma_wait3A_100] : memref<4x128x64xf32, #tpu.memory_space<vmem>> -> memref<1x128x64xf32, #tpu.memory_space<vmem>>
    %dma_wait3A_102 = tpu.memref_squeeze %dma_wait3A_101 : memref<1x128x64xf32, #tpu.memory_space<vmem>> -> memref<128x64xf32, #tpu.memory_space<vmem>>
    %dma_wait3A_103 = arith.constant 0 : i32
    %dma_wait3A_104 = arith.constant 0 : i32
    %dma_wait3A_105 = tpu.memref_slice %arg3[%dma_wait3A_103, %dma_wait3A_104] : memref<1000000x64xf32, #tpu.memory_space<hbm>> -> memref<128x64xf32, #tpu.memory_space<hbm>>
    %dma_wait3A_106 = tpu.memref_slice %arg7[%dma_wait3A_98] : memref<4x!tpu.dma_semaphore, #tpu.memory_space<semaphore_mem>> -> memref<1x!tpu.dma_semaphore, #tpu.memory_space<semaphore_mem>>
    %dma_wait3A_107 = tpu.memref_squeeze %dma_wait3A_106 : memref<1x!tpu.dma_semaphore, #tpu.memory_space<semaphore_mem>> -> memref<!tpu.dma_semaphore, #tpu.memory_space<semaphore_mem>>
    %dma_wait3A_108 = arith.constant 0 : i32
    %dma_wait3A_109 = arith.constant 0 : i32
    %dma_wait3A_110 = tpu.memref_slice %arg6[%dma_wait3A_97, %dma_wait3A_108, %dma_wait3A_109] : memref<4x128x64xf32, #tpu.memory_space<vmem>> -> memref<1x128x64xf32, #tpu.memory_space<vmem>>
    %dma_wait3A_111 = tpu.memref_squeeze %dma_wait3A_110 : memref<1x128x64xf32, #tpu.memory_space<vmem>> -> memref<128x64xf32, #tpu.memory_space<vmem>>
    %dma_wait3A_112 = arith.constant 0 : i32
    %dma_wait3A_113 = arith.constant 0 : i32
    %dma_wait3A_114 = tpu.memref_slice %arg3[%dma_wait3A_112, %dma_wait3A_113] : memref<1000000x64xf32, #tpu.memory_space<hbm>> -> memref<128x64xf32, #tpu.memory_space<hbm>>
    tpu.wait_dma2 semaphore(%dma_wait3A_107 : memref<!tpu.dma_semaphore, #tpu.memory_space<semaphore_mem>>) src(%dma_wait3A_114 : memref<128x64xf32, #tpu.memory_space<hbm>>) dst(%dma_wait3A_111 : memref<128x64xf32, #tpu.memory_space<vmem>>)
    %add3A_115 = arith.constant 128 : i32
    %add3A_116 = arith.addi %mul3A_2, %add3A_115 : i32
    %dma_start3A_117 = arith.constant 1 : i32
    %dma_start3A_118 = arith.constant 1 : i32
    %dma_start3A_119 = arith.constant 0 : i32
    %dma_start3A_120 = arith.constant 0 : i32
    %dma_start3A_121 = tpu.memref_slice %arg6[%dma_start3A_117, %dma_start3A_119, %dma_start3A_120] : memref<4x128x64xf32, #tpu.memory_space<vmem>> -> memref<1x128x64xf32, #tpu.memory_space<vmem>>
    %dma_start3A_122 = tpu.memref_squeeze %dma_start3A_121 : memref<1x128x64xf32, #tpu.memory_space<vmem>> -> memref<128x64xf32, #tpu.memory_space<vmem>>
    %dma_start3A_123 = arith.constant 0 : i32
    %dma_start3A_124 = tpu.memref_slice %arg4[%add3A_116, %dma_start3A_123] : memref<819200x64xf32, #tpu.memory_space<hbm>> -> memref<128x64xf32, #tpu.memory_space<hbm>>
    %dma_start3A_125 = tpu.memref_slice %arg8[%dma_start3A_118] : memref<4x!tpu.dma_semaphore, #tpu.memory_space<semaphore_mem>> -> memref<1x!tpu.dma_semaphore, #tpu.memory_space<semaphore_mem>>
    %dma_start3A_126 = tpu.memref_squeeze %dma_start3A_125 : memref<1x!tpu.dma_semaphore, #tpu.memory_space<semaphore_mem>> -> memref<!tpu.dma_semaphore, #tpu.memory_space<semaphore_mem>>
    %dma_start3A_127 = arith.constant 0 : i32
    %dma_start3A_128 = tpu.memref_slice %arg4[%add3A_116, %dma_start3A_127] : memref<819200x64xf32, #tpu.memory_space<hbm>> -> memref<128x64xf32, #tpu.memory_space<hbm>>
    %dma_start3A_129 = arith.constant 0 : i32
    %dma_start3A_130 = arith.constant 0 : i32
    %dma_start3A_131 = tpu.memref_slice %arg6[%dma_start3A_117, %dma_start3A_129, %dma_start3A_130] : memref<4x128x64xf32, #tpu.memory_space<vmem>> -> memref<1x128x64xf32, #tpu.memory_space<vmem>>
    %dma_start3A_132 = tpu.memref_squeeze %dma_start3A_131 : memref<1x128x64xf32, #tpu.memory_space<vmem>> -> memref<128x64xf32, #tpu.memory_space<vmem>>
    tpu.enqueue_dma source(%dma_start3A_132 : memref<128x64xf32, #tpu.memory_space<vmem>>) target(%dma_start3A_128 : memref<128x64xf32, #tpu.memory_space<hbm>>) target_semaphore(%dma_start3A_126 : memref<!tpu.dma_semaphore, #tpu.memory_space<semaphore_mem>>)
    %dma_wait3A_133 = arith.constant 0 : i32
    %dma_wait3A_134 = arith.constant 0 : i32
    %dma_wait3A_135 = arith.constant 0 : i32
    %dma_wait3A_136 = arith.constant 0 : i32
    %dma_wait3A_137 = tpu.memref_slice %arg6[%dma_wait3A_133, %dma_wait3A_135, %dma_wait3A_136] : memref<4x128x64xf32, #tpu.memory_space<vmem>> -> memref<1x128x64xf32, #tpu.memory_space<vmem>>
    %dma_wait3A_138 = tpu.memref_squeeze %dma_wait3A_137 : memref<1x128x64xf32, #tpu.memory_space<vmem>> -> memref<128x64xf32, #tpu.memory_space<vmem>>
    %dma_wait3A_139 = arith.constant 0 : i32
    %dma_wait3A_140 = tpu.memref_slice %arg4[%mul3A_2, %dma_wait3A_139] : memref<819200x64xf32, #tpu.memory_space<hbm>> -> memref<128x64xf32, #tpu.memory_space<hbm>>
    %dma_wait3A_141 = tpu.memref_slice %arg8[%dma_wait3A_134] : memref<4x!tpu.dma_semaphore, #tpu.memory_space<semaphore_mem>> -> memref<1x!tpu.dma_semaphore, #tpu.memory_space<semaphore_mem>>
    %dma_wait3A_142 = tpu.memref_squeeze %dma_wait3A_141 : memref<1x!tpu.dma_semaphore, #tpu.memory_space<semaphore_mem>> -> memref<!tpu.dma_semaphore, #tpu.memory_space<semaphore_mem>>
    %dma_wait3A_143 = arith.constant 0 : i32
    %dma_wait3A_144 = tpu.memref_slice %arg4[%mul3A_2, %dma_wait3A_143] : memref<819200x64xf32, #tpu.memory_space<hbm>> -> memref<128x64xf32, #tpu.memory_space<hbm>>
    %dma_wait3A_145 = arith.constant 0 : i32
    %dma_wait3A_146 = arith.constant 0 : i32
    %dma_wait3A_147 = tpu.memref_slice %arg6[%dma_wait3A_133, %dma_wait3A_145, %dma_wait3A_146] : memref<4x128x64xf32, #tpu.memory_space<vmem>> -> memref<1x128x64xf32, #tpu.memory_space<vmem>>
    %dma_wait3A_148 = tpu.memref_squeeze %dma_wait3A_147 : memref<1x128x64xf32, #tpu.memory_space<vmem>> -> memref<128x64xf32, #tpu.memory_space<vmem>>
    tpu.wait_dma2 semaphore(%dma_wait3A_142 : memref<!tpu.dma_semaphore, #tpu.memory_space<semaphore_mem>>) src(%dma_wait3A_148 : memref<128x64xf32, #tpu.memory_space<vmem>>) dst(%dma_wait3A_144 : memref<128x64xf32, #tpu.memory_space<hbm>>)
    %dma_start3A_149 = arith.constant 4 : i32
    %dma_start3A_150 = arith.constant 0 : i32
    %dma_start3A_151 = arith.constant 0 : i32
    %dma_start3A_152 = arith.constant 0 : i32
    %dma_start3A_153 = arith.constant 0 : i32
    %dma_start3A_154 = tpu.memref_slice %arg6[%dma_start3A_150, %dma_start3A_152, %dma_start3A_153] : memref<4x128x64xf32, #tpu.memory_space<vmem>> -> memref<1x128x64xf32, #tpu.memory_space<vmem>>
    %dma_start3A_155 = tpu.memref_squeeze %dma_start3A_154 : memref<1x128x64xf32, #tpu.memory_space<vmem>> -> memref<128x64xf32, #tpu.memory_space<vmem>>
    %dma_start3A_156 = arith.constant 0 : i32
    %dma_start3A_157 = tpu.memref_slice %arg5[%dma_start3A_149, %dma_start3A_156] : memref<200x128xi32, #tpu.memory_space<vmem>> -> memref<1x128xi32, #tpu.memory_space<vmem>>
    %dma_start3A_158 = tpu.memref_squeeze %dma_start3A_157 : memref<1x128xi32, #tpu.memory_space<vmem>> -> memref<128xi32, #tpu.memory_space<vmem>>
    %dma_start3A_159 = arith.constant 0 : i32
    %dma_start3A_160 = arith.constant 0 : i32
    %dma_start3A_161 = tpu.memref_slice %arg3[%dma_start3A_159, %dma_start3A_160] : memref<1000000x64xf32, #tpu.memory_space<hbm>> -> memref<1000000x64xf32, #tpu.memory_space<hbm>>
    %dma_start3A_162 = tpu.memref_slice %arg7[%dma_start3A_151] : memref<4x!tpu.dma_semaphore, #tpu.memory_space<semaphore_mem>> -> memref<1x!tpu.dma_semaphore, #tpu.memory_space<semaphore_mem>>
    %dma_start3A_163 = tpu.memref_squeeze %dma_start3A_162 : memref<1x!tpu.dma_semaphore, #tpu.memory_space<semaphore_mem>> -> memref<!tpu.dma_semaphore, #tpu.memory_space<semaphore_mem>>
    tpu.enqueue_indirect_dma source(%dma_start3A_161 : memref<1000000x64xf32, #tpu.memory_space<hbm>>) target(%dma_start3A_155 : memref<128x64xf32, #tpu.memory_space<vmem>>) offsets(%dma_start3A_158 : memref<128xi32, #tpu.memory_space<vmem>>) semaphore(%dma_start3A_163 : memref<!tpu.dma_semaphore, #tpu.memory_space<semaphore_mem>>)
    %dma_wait3A_164 = arith.constant 2 : i32
    %dma_wait3A_165 = arith.constant 2 : i32
    %dma_wait3A_166 = arith.constant 0 : i32
    %dma_wait3A_167 = arith.constant 0 : i32
    %dma_wait3A_168 = tpu.memref_slice %arg6[%dma_wait3A_164, %dma_wait3A_166, %dma_wait3A_167] : memref<4x128x64xf32, #tpu.memory_space<vmem>> -> memref<1x128x64xf32, #tpu.memory_space<vmem>>
    %dma_wait3A_169 = tpu.memref_squeeze %dma_wait3A_168 : memref<1x128x64xf32, #tpu.memory_space<vmem>> -> memref<128x64xf32, #tpu.memory_space<vmem>>
    %dma_wait3A_170 = arith.constant 0 : i32
    %dma_wait3A_171 = arith.constant 0 : i32
    %dma_wait3A_172 = tpu.memref_slice %arg3[%dma_wait3A_170, %dma_wait3A_171] : memref<1000000x64xf32, #tpu.memory_space<hbm>> -> memref<128x64xf32, #tpu.memory_space<hbm>>
    %dma_wait3A_173 = tpu.memref_slice %arg7[%dma_wait3A_165] : memref<4x!tpu.dma_semaphore, #tpu.memory_space<semaphore_mem>> -> memref<1x!tpu.dma_semaphore, #tpu.memory_space<semaphore_mem>>
    %dma_wait3A_174 = tpu.memref_squeeze %dma_wait3A_173 : memref<1x!tpu.dma_semaphore, #tpu.memory_space<semaphore_mem>> -> memref<!tpu.dma_semaphore, #tpu.memory_space<semaphore_mem>>
    %dma_wait3A_175 = arith.constant 0 : i32
    %dma_wait3A_176 = arith.constant 0 : i32
    %dma_wait3A_177 = tpu.memref_slice %arg6[%dma_wait3A_164, %dma_wait3A_175, %dma_wait3A_176] : memref<4x128x64xf32, #tpu.memory_space<vmem>> -> memref<1x128x64xf32, #tpu.memory_space<vmem>>
    %dma_wait3A_178 = tpu.memref_squeeze %dma_wait3A_177 : memref<1x128x64xf32, #tpu.memory_space<vmem>> -> memref<128x64xf32, #tpu.memory_space<vmem>>
    %dma_wait3A_179 = arith.constant 0 : i32
    %dma_wait3A_180 = arith.constant 0 : i32
    %dma_wait3A_181 = tpu.memref_slice %arg3[%dma_wait3A_179, %dma_wait3A_180] : memref<1000000x64xf32, #tpu.memory_space<hbm>> -> memref<128x64xf32, #tpu.memory_space<hbm>>
    tpu.wait_dma2 semaphore(%dma_wait3A_174 : memref<!tpu.dma_semaphore, #tpu.memory_space<semaphore_mem>>) src(%dma_wait3A_181 : memref<128x64xf32, #tpu.memory_space<hbm>>) dst(%dma_wait3A_178 : memref<128x64xf32, #tpu.memory_space<vmem>>)
    %add3A_182 = arith.constant 256 : i32
    %add3A_183 = arith.addi %mul3A_2, %add3A_182 : i32
    %dma_start3A_184 = arith.constant 2 : i32
    %dma_start3A_185 = arith.constant 2 : i32
    %dma_start3A_186 = arith.constant 0 : i32
    %dma_start3A_187 = arith.constant 0 : i32
    %dma_start3A_188 = tpu.memref_slice %arg6[%dma_start3A_184, %dma_start3A_186, %dma_start3A_187] : memref<4x128x64xf32, #tpu.memory_space<vmem>> -> memref<1x128x64xf32, #tpu.memory_space<vmem>>
    %dma_start3A_189 = tpu.memref_squeeze %dma_start3A_188 : memref<1x128x64xf32, #tpu.memory_space<vmem>> -> memref<128x64xf32, #tpu.memory_space<vmem>>
    %dma_start3A_190 = arith.constant 0 : i32
    %dma_start3A_191 = tpu.memref_slice %arg4[%add3A_183, %dma_start3A_190] : memref<819200x64xf32, #tpu.memory_space<hbm>> -> memref<128x64xf32, #tpu.memory_space<hbm>>
    %dma_start3A_192 = tpu.memref_slice %arg8[%dma_start3A_185] : memref<4x!tpu.dma_semaphore, #tpu.memory_space<semaphore_mem>> -> memref<1x!tpu.dma_semaphore, #tpu.memory_space<semaphore_mem>>
    %dma_start3A_193 = tpu.memref_squeeze %dma_start3A_192 : memref<1x!tpu.dma_semaphore, #tpu.memory_space<semaphore_mem>> -> memref<!tpu.dma_semaphore, #tpu.memory_space<semaphore_mem>>
    %dma_start3A_194 = arith.constant 0 : i32
    %dma_start3A_195 = tpu.memref_slice %arg4[%add3A_183, %dma_start3A_194] : memref<819200x64xf32, #tpu.memory_space<hbm>> -> memref<128x64xf32, #tpu.memory_space<hbm>>
    %dma_start3A_196 = arith.constant 0 : i32
    %dma_start3A_197 = arith.constant 0 : i32
    %dma_start3A_198 = tpu.memref_slice %arg6[%dma_start3A_184, %dma_start3A_196, %dma_start3A_197] : memref<4x128x64xf32, #tpu.memory_space<vmem>> -> memref<1x128x64xf32, #tpu.memory_space<vmem>>
    %dma_start3A_199 = tpu.memref_squeeze %dma_start3A_198 : memref<1x128x64xf32, #tpu.memory_space<vmem>> -> memref<128x64xf32, #tpu.memory_space<vmem>>
    tpu.enqueue_dma source(%dma_start3A_199 : memref<128x64xf32, #tpu.memory_space<vmem>>) target(%dma_start3A_195 : memref<128x64xf32, #tpu.memory_space<hbm>>) target_semaphore(%dma_start3A_193 : memref<!tpu.dma_semaphore, #tpu.memory_space<semaphore_mem>>)
    %dma_wait3A_200 = arith.constant 1 : i32
    %dma_wait3A_201 = arith.constant 1 : i32
    %dma_wait3A_202 = arith.constant 0 : i32
    %dma_wait3A_203 = arith.constant 0 : i32
    %dma_wait3A_204 = tpu.memref_slice %arg6[%dma_wait3A_200, %dma_wait3A_202, %dma_wait3A_203] : memref<4x128x64xf32, #tpu.memory_space<vmem>> -> memref<1x128x64xf32, #tpu.memory_space<vmem>>
    %dma_wait3A_205 = tpu.memref_squeeze %dma_wait3A_204 : memref<1x128x64xf32, #tpu.memory_space<vmem>> -> memref<128x64xf32, #tpu.memory_space<vmem>>
    %dma_wait3A_206 = arith.constant 0 : i32
    %dma_wait3A_207 = tpu.memref_slice %arg4[%mul3A_2, %dma_wait3A_206] : memref<819200x64xf32, #tpu.memory_space<hbm>> -> memref<128x64xf32, #tpu.memory_space<hbm>>
    %dma_wait3A_208 = tpu.memref_slice %arg8[%dma_wait3A_201] : memref<4x!tpu.dma_semaphore, #tpu.memory_space<semaphore_mem>> -> memref<1x!tpu.dma_semaphore, #tpu.memory_space<semaphore_mem>>
    %dma_wait3A_209 = tpu.memref_squeeze %dma_wait3A_208 : memref<1x!tpu.dma_semaphore, #tpu.memory_space<semaphore_mem>> -> memref<!tpu.dma_semaphore, #tpu.memory_space<semaphore_mem>>
    %dma_wait3A_210 = arith.constant 0 : i32
    %dma_wait3A_211 = tpu.memref_slice %arg4[%mul3A_2, %dma_wait3A_210] : memref<819200x64xf32, #tpu.memory_space<hbm>> -> memref<128x64xf32, #tpu.memory_space<hbm>>
    %dma_wait3A_212 = arith.constant 0 : i32
    %dma_wait3A_213 = arith.constant 0 : i32
    %dma_wait3A_214 = tpu.memref_slice %arg6[%dma_wait3A_200, %dma_wait3A_212, %dma_wait3A_213] : memref<4x128x64xf32, #tpu.memory_space<vmem>> -> memref<1x128x64xf32, #tpu.memory_space<vmem>>
    %dma_wait3A_215 = tpu.memref_squeeze %dma_wait3A_214 : memref<1x128x64xf32, #tpu.memory_space<vmem>> -> memref<128x64xf32, #tpu.memory_space<vmem>>
    tpu.wait_dma2 semaphore(%dma_wait3A_209 : memref<!tpu.dma_semaphore, #tpu.memory_space<semaphore_mem>>) src(%dma_wait3A_215 : memref<128x64xf32, #tpu.memory_space<vmem>>) dst(%dma_wait3A_211 : memref<128x64xf32, #tpu.memory_space<hbm>>)
    %dma_start3A_216 = arith.constant 5 : i32
    %dma_start3A_217 = arith.constant 1 : i32
    %dma_start3A_218 = arith.constant 1 : i32
    %dma_start3A_219 = arith.constant 0 : i32
    %dma_start3A_220 = arith.constant 0 : i32
    %dma_start3A_221 = tpu.memref_slice %arg6[%dma_start3A_217, %dma_start3A_219, %dma_start3A_220] : memref<4x128x64xf32, #tpu.memory_space<vmem>> -> memref<1x128x64xf32, #tpu.memory_space<vmem>>
    %dma_start3A_222 = tpu.memref_squeeze %dma_start3A_221 : memref<1x128x64xf32, #tpu.memory_space<vmem>> -> memref<128x64xf32, #tpu.memory_space<vmem>>
    %dma_start3A_223 = arith.constant 0 : i32
    %dma_start3A_224 = tpu.memref_slice %arg5[%dma_start3A_216, %dma_start3A_223] : memref<200x128xi32, #tpu.memory_space<vmem>> -> memref<1x128xi32, #tpu.memory_space<vmem>>
    %dma_start3A_225 = tpu.memref_squeeze %dma_start3A_224 : memref<1x128xi32, #tpu.memory_space<vmem>> -> memref<128xi32, #tpu.memory_space<vmem>>
    %dma_start3A_226 = arith.constant 0 : i32
    %dma_start3A_227 = arith.constant 0 : i32
    %dma_start3A_228 = tpu.memref_slice %arg3[%dma_start3A_226, %dma_start3A_227] : memref<1000000x64xf32, #tpu.memory_space<hbm>> -> memref<1000000x64xf32, #tpu.memory_space<hbm>>
    %dma_start3A_229 = tpu.memref_slice %arg7[%dma_start3A_218] : memref<4x!tpu.dma_semaphore, #tpu.memory_space<semaphore_mem>> -> memref<1x!tpu.dma_semaphore, #tpu.memory_space<semaphore_mem>>
    %dma_start3A_230 = tpu.memref_squeeze %dma_start3A_229 : memref<1x!tpu.dma_semaphore, #tpu.memory_space<semaphore_mem>> -> memref<!tpu.dma_semaphore, #tpu.memory_space<semaphore_mem>>
    tpu.enqueue_indirect_dma source(%dma_start3A_228 : memref<1000000x64xf32, #tpu.memory_space<hbm>>) target(%dma_start3A_222 : memref<128x64xf32, #tpu.memory_space<vmem>>) offsets(%dma_start3A_225 : memref<128xi32, #tpu.memory_space<vmem>>) semaphore(%dma_start3A_230 : memref<!tpu.dma_semaphore, #tpu.memory_space<semaphore_mem>>)
    %dma_wait3A_231 = arith.constant 3 : i32
    %dma_wait3A_232 = arith.constant 3 : i32
    %dma_wait3A_233 = arith.constant 0 : i32
    %dma_wait3A_234 = arith.constant 0 : i32
    %dma_wait3A_235 = tpu.memref_slice %arg6[%dma_wait3A_231, %dma_wait3A_233, %dma_wait3A_234] : memref<4x128x64xf32, #tpu.memory_space<vmem>> -> memref<1x128x64xf32, #tpu.memory_space<vmem>>
    %dma_wait3A_236 = tpu.memref_squeeze %dma_wait3A_235 : memref<1x128x64xf32, #tpu.memory_space<vmem>> -> memref<128x64xf32, #tpu.memory_space<vmem>>
    %dma_wait3A_237 = arith.constant 0 : i32
    %dma_wait3A_238 = arith.constant 0 : i32
    %dma_wait3A_239 = tpu.memref_slice %arg3[%dma_wait3A_237, %dma_wait3A_238] : memref<1000000x64xf32, #tpu.memory_space<hbm>> -> memref<128x64xf32, #tpu.memory_space<hbm>>
    %dma_wait3A_240 = tpu.memref_slice %arg7[%dma_wait3A_232] : memref<4x!tpu.dma_semaphore, #tpu.memory_space<semaphore_mem>> -> memref<1x!tpu.dma_semaphore, #tpu.memory_space<semaphore_mem>>
    %dma_wait3A_241 = tpu.memref_squeeze %dma_wait3A_240 : memref<1x!tpu.dma_semaphore, #tpu.memory_space<semaphore_mem>> -> memref<!tpu.dma_semaphore, #tpu.memory_space<semaphore_mem>>
    %dma_wait3A_242 = arith.constant 0 : i32
    %dma_wait3A_243 = arith.constant 0 : i32
    %dma_wait3A_244 = tpu.memref_slice %arg6[%dma_wait3A_231, %dma_wait3A_242, %dma_wait3A_243] : memref<4x128x64xf32, #tpu.memory_space<vmem>> -> memref<1x128x64xf32, #tpu.memory_space<vmem>>
    %dma_wait3A_245 = tpu.memref_squeeze %dma_wait3A_244 : memref<1x128x64xf32, #tpu.memory_space<vmem>> -> memref<128x64xf32, #tpu.memory_space<vmem>>
    %dma_wait3A_246 = arith.constant 0 : i32
    %dma_wait3A_247 = arith.constant 0 : i32
    %dma_wait3A_248 = tpu.memref_slice %arg3[%dma_wait3A_246, %dma_wait3A_247] : memref<1000000x64xf32, #tpu.memory_space<hbm>> -> memref<128x64xf32, #tpu.memory_space<hbm>>
    tpu.wait_dma2 semaphore(%dma_wait3A_241 : memref<!tpu.dma_semaphore, #tpu.memory_space<semaphore_mem>>) src(%dma_wait3A_248 : memref<128x64xf32, #tpu.memory_space<hbm>>) dst(%dma_wait3A_245 : memref<128x64xf32, #tpu.memory_space<vmem>>)
    %add3A_249 = arith.constant 384 : i32
    %add3A_250 = arith.addi %mul3A_2, %add3A_249 : i32
    %dma_start3A_251 = arith.constant 3 : i32
    %dma_start3A_252 = arith.constant 3 : i32
    %dma_start3A_253 = arith.constant 0 : i32
    %dma_start3A_254 = arith.constant 0 : i32
    %dma_start3A_255 = tpu.memref_slice %arg6[%dma_start3A_251, %dma_start3A_253, %dma_start3A_254] : memref<4x128x64xf32, #tpu.memory_space<vmem>> -> memref<1x128x64xf32, #tpu.memory_space<vmem>>
    %dma_start3A_256 = tpu.memref_squeeze %dma_start3A_255 : memref<1x128x64xf32, #tpu.memory_space<vmem>> -> memref<128x64xf32, #tpu.memory_space<vmem>>
    %dma_start3A_257 = arith.constant 0 : i32
    %dma_start3A_258 = tpu.memref_slice %arg4[%add3A_250, %dma_start3A_257] : memref<819200x64xf32, #tpu.memory_space<hbm>> -> memref<128x64xf32, #tpu.memory_space<hbm>>
    %dma_start3A_259 = tpu.memref_slice %arg8[%dma_start3A_252] : memref<4x!tpu.dma_semaphore, #tpu.memory_space<semaphore_mem>> -> memref<1x!tpu.dma_semaphore, #tpu.memory_space<semaphore_mem>>
    %dma_start3A_260 = tpu.memref_squeeze %dma_start3A_259 : memref<1x!tpu.dma_semaphore, #tpu.memory_space<semaphore_mem>> -> memref<!tpu.dma_semaphore, #tpu.memory_space<semaphore_mem>>
    %dma_start3A_261 = arith.constant 0 : i32
    %dma_start3A_262 = tpu.memref_slice %arg4[%add3A_250, %dma_start3A_261] : memref<819200x64xf32, #tpu.memory_space<hbm>> -> memref<128x64xf32, #tpu.memory_space<hbm>>
    %dma_start3A_263 = arith.constant 0 : i32
    %dma_start3A_264 = arith.constant 0 : i32
    %dma_start3A_265 = tpu.memref_slice %arg6[%dma_start3A_251, %dma_start3A_263, %dma_start3A_264] : memref<4x128x64xf32, #tpu.memory_space<vmem>> -> memref<1x128x64xf32, #tpu.memory_space<vmem>>
    %dma_start3A_266 = tpu.memref_squeeze %dma_start3A_265 : memref<1x128x64xf32, #tpu.memory_space<vmem>> -> memref<128x64xf32, #tpu.memory_space<vmem>>
    tpu.enqueue_dma source(%dma_start3A_266 : memref<128x64xf32, #tpu.memory_space<vmem>>) target(%dma_start3A_262 : memref<128x64xf32, #tpu.memory_space<hbm>>) target_semaphore(%dma_start3A_260 : memref<!tpu.dma_semaphore, #tpu.memory_space<semaphore_mem>>)
    %scan3A = arith.constant 0 : i32
    %scan3A_267 = arith.constant 1 : i32
    %scan3A_268 = arith.constant 48 : i32
    %scan3A_269 = arith.addi %scan3A_267, %scan3A_268 : i32
    %scan3A_270 = arith.constant 1 : i32
    %scan3A_271 = scf.for %scan3A_543 = %scan3A_267 to %scan3A_269 step %scan3A_270 iter_args(%scan3A_544 = %scan3A) -> (i32)  : i32 {
      %mul3A_545 = arith.constant 4 : i32
      %mul3A_546 = arith.muli %scan3A_543, %mul3A_545 : i32
      %add3A_547 = arith.constant 0 : i32
      %add3A_548 = arith.addi %mul3A_546, %add3A_547 : i32
      %dma_wait3A_549 = arith.constant 2 : i32
      %dma_wait3A_550 = arith.constant 2 : i32
      %dma_wait3A_551 = arith.constant 0 : i32
      %dma_wait3A_552 = arith.constant 0 : i32
      %dma_wait3A_553 = tpu.memref_slice %arg6[%dma_wait3A_549, %dma_wait3A_551, %dma_wait3A_552] : memref<4x128x64xf32, #tpu.memory_space<vmem>> -> memref<1x128x64xf32, #tpu.memory_space<vmem>>
      %dma_wait3A_554 = tpu.memref_squeeze %dma_wait3A_553 : memref<1x128x64xf32, #tpu.memory_space<vmem>> -> memref<128x64xf32, #tpu.memory_space<vmem>>
      %dma_wait3A_555 = arith.constant 0 : i32
      %dma_wait3A_556 = tpu.memref_slice %arg4[%mul3A_2, %dma_wait3A_555] : memref<819200x64xf32, #tpu.memory_space<hbm>> -> memref<128x64xf32, #tpu.memory_space<hbm>>
      %dma_wait3A_557 = tpu.memref_slice %arg8[%dma_wait3A_550] : memref<4x!tpu.dma_semaphore, #tpu.memory_space<semaphore_mem>> -> memref<1x!tpu.dma_semaphore, #tpu.memory_space<semaphore_mem>>
      %dma_wait3A_558 = tpu.memref_squeeze %dma_wait3A_557 : memref<1x!tpu.dma_semaphore, #tpu.memory_space<semaphore_mem>> -> memref<!tpu.dma_semaphore, #tpu.memory_space<semaphore_mem>>
      %dma_wait3A_559 = arith.constant 0 : i32
      %dma_wait3A_560 = tpu.memref_slice %arg4[%mul3A_2, %dma_wait3A_559] : memref<819200x64xf32, #tpu.memory_space<hbm>> -> memref<128x64xf32, #tpu.memory_space<hbm>>
      %dma_wait3A_561 = arith.constant 0 : i32
      %dma_wait3A_562 = arith.constant 0 : i32
      %dma_wait3A_563 = tpu.memref_slice %arg6[%dma_wait3A_549, %dma_wait3A_561, %dma_wait3A_562] : memref<4x128x64xf32, #tpu.memory_space<vmem>> -> memref<1x128x64xf32, #tpu.memory_space<vmem>>
      %dma_wait3A_564 = tpu.memref_squeeze %dma_wait3A_563 : memref<1x128x64xf32, #tpu.memory_space<vmem>> -> memref<128x64xf32, #tpu.memory_space<vmem>>
      tpu.wait_dma2 semaphore(%dma_wait3A_558 : memref<!tpu.dma_semaphore, #tpu.memory_space<semaphore_mem>>) src(%dma_wait3A_564 : memref<128x64xf32, #tpu.memory_space<vmem>>) dst(%dma_wait3A_560 : memref<128x64xf32, #tpu.memory_space<hbm>>)
      %add3A_565 = arith.constant 2 : i32
      %add3A_566 = arith.addi %add3A_548, %add3A_565 : i32
      %dma_start3A_567 = arith.constant 2 : i32
      %dma_start3A_568 = arith.constant 2 : i32
      %dma_start3A_569 = arith.constant 0 : i32
      %dma_start3A_570 = arith.constant 0 : i32
      %dma_start3A_571 = tpu.memref_slice %arg6[%dma_start3A_567, %dma_start3A_569, %dma_start3A_570] : memref<4x128x64xf32, #tpu.memory_space<vmem>> -> memref<1x128x64xf32, #tpu.memory_space<vmem>>
      %dma_start3A_572 = tpu.memref_squeeze %dma_start3A_571 : memref<1x128x64xf32, #tpu.memory_space<vmem>> -> memref<128x64xf32, #tpu.memory_space<vmem>>
      %dma_start3A_573 = arith.constant 0 : i32
      %dma_start3A_574 = tpu.memref_slice %arg5[%add3A_566, %dma_start3A_573] : memref<200x128xi32, #tpu.memory_space<vmem>> -> memref<1x128xi32, #tpu.memory_space<vmem>>
      %dma_start3A_575 = tpu.memref_squeeze %dma_start3A_574 : memref<1x128xi32, #tpu.memory_space<vmem>> -> memref<128xi32, #tpu.memory_space<vmem>>
      %dma_start3A_576 = arith.constant 0 : i32
      %dma_start3A_577 = arith.constant 0 : i32
      %dma_start3A_578 = tpu.memref_slice %arg3[%dma_start3A_576, %dma_start3A_577] : memref<1000000x64xf32, #tpu.memory_space<hbm>> -> memref<1000000x64xf32, #tpu.memory_space<hbm>>
      %dma_start3A_579 = tpu.memref_slice %arg7[%dma_start3A_568] : memref<4x!tpu.dma_semaphore, #tpu.memory_space<semaphore_mem>> -> memref<1x!tpu.dma_semaphore, #tpu.memory_space<semaphore_mem>>
      %dma_start3A_580 = tpu.memref_squeeze %dma_start3A_579 : memref<1x!tpu.dma_semaphore, #tpu.memory_space<semaphore_mem>> -> memref<!tpu.dma_semaphore, #tpu.memory_space<semaphore_mem>>
      tpu.enqueue_indirect_dma source(%dma_start3A_578 : memref<1000000x64xf32, #tpu.memory_space<hbm>>) target(%dma_start3A_572 : memref<128x64xf32, #tpu.memory_space<vmem>>) offsets(%dma_start3A_575 : memref<128xi32, #tpu.memory_space<vmem>>) semaphore(%dma_start3A_580 : memref<!tpu.dma_semaphore, #tpu.memory_space<semaphore_mem>>)
      %dma_wait3A_581 = arith.constant 0 : i32
      %dma_wait3A_582 = arith.constant 0 : i32
      %dma_wait3A_583 = arith.constant 0 : i32
      %dma_wait3A_584 = arith.constant 0 : i32
      %dma_wait3A_585 = tpu.memref_slice %arg6[%dma_wait3A_581, %dma_wait3A_583, %dma_wait3A_584] : memref<4x128x64xf32, #tpu.memory_space<vmem>> -> memref<1x128x64xf32, #tpu.memory_space<vmem>>
      %dma_wait3A_586 = tpu.memref_squeeze %dma_wait3A_585 : memref<1x128x64xf32, #tpu.memory_space<vmem>> -> memref<128x64xf32, #tpu.memory_space<vmem>>
      %dma_wait3A_587 = arith.constant 0 : i32
      %dma_wait3A_588 = arith.constant 0 : i32
      %dma_wait3A_589 = tpu.memref_slice %arg3[%dma_wait3A_587, %dma_wait3A_588] : memref<1000000x64xf32, #tpu.memory_space<hbm>> -> memref<128x64xf32, #tpu.memory_space<hbm>>
      %dma_wait3A_590 = tpu.memref_slice %arg7[%dma_wait3A_582] : memref<4x!tpu.dma_semaphore, #tpu.memory_space<semaphore_mem>> -> memref<1x!tpu.dma_semaphore, #tpu.memory_space<semaphore_mem>>
      %dma_wait3A_591 = tpu.memref_squeeze %dma_wait3A_590 : memref<1x!tpu.dma_semaphore, #tpu.memory_space<semaphore_mem>> -> memref<!tpu.dma_semaphore, #tpu.memory_space<semaphore_mem>>
      %dma_wait3A_592 = arith.constant 0 : i32
      %dma_wait3A_593 = arith.constant 0 : i32
      %dma_wait3A_594 = tpu.memref_slice %arg6[%dma_wait3A_581, %dma_wait3A_592, %dma_wait3A_593] : memref<4x128x64xf32, #tpu.memory_space<vmem>> -> memref<1x128x64xf32, #tpu.memory_space<vmem>>
      %dma_wait3A_595 = tpu.memref_squeeze %dma_wait3A_594 : memref<1x128x64xf32, #tpu.memory_space<vmem>> -> memref<128x64xf32, #tpu.memory_space<vmem>>
      %dma_wait3A_596 = arith.constant 0 : i32
      %dma_wait3A_597 = arith.constant 0 : i32
      %dma_wait3A_598 = tpu.memref_slice %arg3[%dma_wait3A_596, %dma_wait3A_597] : memref<1000000x64xf32, #tpu.memory_space<hbm>> -> memref<128x64xf32, #tpu.memory_space<hbm>>
      tpu.wait_dma2 semaphore(%dma_wait3A_591 : memref<!tpu.dma_semaphore, #tpu.memory_space<semaphore_mem>>) src(%dma_wait3A_598 : memref<128x64xf32, #tpu.memory_space<hbm>>) dst(%dma_wait3A_595 : memref<128x64xf32, #tpu.memory_space<vmem>>)
      %mul3A_599 = arith.constant 128 : i32
      %mul3A_600 = arith.muli %add3A_548, %mul3A_599 : i32
      %add3A_601 = arith.addi %mul3A_2, %mul3A_600 : i32
      %dma_start3A_602 = arith.constant 0 : i32
      %dma_start3A_603 = arith.constant 0 : i32
      %dma_start3A_604 = arith.constant 0 : i32
      %dma_start3A_605 = arith.constant 0 : i32
      %dma_start3A_606 = tpu.memref_slice %arg6[%dma_start3A_602, %dma_start3A_604, %dma_start3A_605] : memref<4x128x64xf32, #tpu.memory_space<vmem>> -> memref<1x128x64xf32, #tpu.memory_space<vmem>>
      %dma_start3A_607 = tpu.memref_squeeze %dma_start3A_606 : memref<1x128x64xf32, #tpu.memory_space<vmem>> -> memref<128x64xf32, #tpu.memory_space<vmem>>
      %dma_start3A_608 = arith.constant 0 : i32
      %dma_start3A_609 = tpu.memref_slice %arg4[%add3A_601, %dma_start3A_608] : memref<819200x64xf32, #tpu.memory_space<hbm>> -> memref<128x64xf32, #tpu.memory_space<hbm>>
      %dma_start3A_610 = tpu.memref_slice %arg8[%dma_start3A_603] : memref<4x!tpu.dma_semaphore, #tpu.memory_space<semaphore_mem>> -> memref<1x!tpu.dma_semaphore, #tpu.memory_space<semaphore_mem>>
      %dma_start3A_611 = tpu.memref_squeeze %dma_start3A_610 : memref<1x!tpu.dma_semaphore, #tpu.memory_space<semaphore_mem>> -> memref<!tpu.dma_semaphore, #tpu.memory_space<semaphore_mem>>
      %dma_start3A_612 = arith.constant 0 : i32
      %dma_start3A_613 = tpu.memref_slice %arg4[%add3A_601, %dma_start3A_612] : memref<819200x64xf32, #tpu.memory_space<hbm>> -> memref<128x64xf32, #tpu.memory_space<hbm>>
      %dma_start3A_614 = arith.constant 0 : i32
      %dma_start3A_615 = arith.constant 0 : i32
      %dma_start3A_616 = tpu.memref_slice %arg6[%dma_start3A_602, %dma_start3A_614, %dma_start3A_615] : memref<4x128x64xf32, #tpu.memory_space<vmem>> -> memref<1x128x64xf32, #tpu.memory_space<vmem>>
      %dma_start3A_617 = tpu.memref_squeeze %dma_start3A_616 : memref<1x128x64xf32, #tpu.memory_space<vmem>> -> memref<128x64xf32, #tpu.memory_space<vmem>>
      tpu.enqueue_dma source(%dma_start3A_617 : memref<128x64xf32, #tpu.memory_space<vmem>>) target(%dma_start3A_613 : memref<128x64xf32, #tpu.memory_space<hbm>>) target_semaphore(%dma_start3A_611 : memref<!tpu.dma_semaphore, #tpu.memory_space<semaphore_mem>>)
      %mul3A_618 = arith.constant 4 : i32
      %mul3A_619 = arith.muli %scan3A_543, %mul3A_618 : i32
      %add3A_620 = arith.constant 1 : i32
      %add3A_621 = arith.addi %mul3A_619, %add3A_620 : i32
      %dma_wait3A_622 = arith.constant 3 : i32
      %dma_wait3A_623 = arith.constant 3 : i32
      %dma_wait3A_624 = arith.constant 0 : i32
      %dma_wait3A_625 = arith.constant 0 : i32
      %dma_wait3A_626 = tpu.memref_slice %arg6[%dma_wait3A_622, %dma_wait3A_624, %dma_wait3A_625] : memref<4x128x64xf32, #tpu.memory_space<vmem>> -> memref<1x128x64xf32, #tpu.memory_space<vmem>>
      %dma_wait3A_627 = tpu.memref_squeeze %dma_wait3A_626 : memref<1x128x64xf32, #tpu.memory_space<vmem>> -> memref<128x64xf32, #tpu.memory_space<vmem>>
      %dma_wait3A_628 = arith.constant 0 : i32
      %dma_wait3A_629 = tpu.memref_slice %arg4[%mul3A_2, %dma_wait3A_628] : memref<819200x64xf32, #tpu.memory_space<hbm>> -> memref<128x64xf32, #tpu.memory_space<hbm>>
      %dma_wait3A_630 = tpu.memref_slice %arg8[%dma_wait3A_623] : memref<4x!tpu.dma_semaphore, #tpu.memory_space<semaphore_mem>> -> memref<1x!tpu.dma_semaphore, #tpu.memory_space<semaphore_mem>>
      %dma_wait3A_631 = tpu.memref_squeeze %dma_wait3A_630 : memref<1x!tpu.dma_semaphore, #tpu.memory_space<semaphore_mem>> -> memref<!tpu.dma_semaphore, #tpu.memory_space<semaphore_mem>>
      %dma_wait3A_632 = arith.constant 0 : i32
      %dma_wait3A_633 = tpu.memref_slice %arg4[%mul3A_2, %dma_wait3A_632] : memref<819200x64xf32, #tpu.memory_space<hbm>> -> memref<128x64xf32, #tpu.memory_space<hbm>>
      %dma_wait3A_634 = arith.constant 0 : i32
      %dma_wait3A_635 = arith.constant 0 : i32
      %dma_wait3A_636 = tpu.memref_slice %arg6[%dma_wait3A_622, %dma_wait3A_634, %dma_wait3A_635] : memref<4x128x64xf32, #tpu.memory_space<vmem>> -> memref<1x128x64xf32, #tpu.memory_space<vmem>>
      %dma_wait3A_637 = tpu.memref_squeeze %dma_wait3A_636 : memref<1x128x64xf32, #tpu.memory_space<vmem>> -> memref<128x64xf32, #tpu.memory_space<vmem>>
      tpu.wait_dma2 semaphore(%dma_wait3A_631 : memref<!tpu.dma_semaphore, #tpu.memory_space<semaphore_mem>>) src(%dma_wait3A_637 : memref<128x64xf32, #tpu.memory_space<vmem>>) dst(%dma_wait3A_633 : memref<128x64xf32, #tpu.memory_space<hbm>>)
      %add3A_638 = arith.constant 2 : i32
      %add3A_639 = arith.addi %add3A_621, %add3A_638 : i32
      %dma_start3A_640 = arith.constant 3 : i32
      %dma_start3A_641 = arith.constant 3 : i32
      %dma_start3A_642 = arith.constant 0 : i32
      %dma_start3A_643 = arith.constant 0 : i32
      %dma_start3A_644 = tpu.memref_slice %arg6[%dma_start3A_640, %dma_start3A_642, %dma_start3A_643] : memref<4x128x64xf32, #tpu.memory_space<vmem>> -> memref<1x128x64xf32, #tpu.memory_space<vmem>>
      %dma_start3A_645 = tpu.memref_squeeze %dma_start3A_644 : memref<1x128x64xf32, #tpu.memory_space<vmem>> -> memref<128x64xf32, #tpu.memory_space<vmem>>
      %dma_start3A_646 = arith.constant 0 : i32
      %dma_start3A_647 = tpu.memref_slice %arg5[%add3A_639, %dma_start3A_646] : memref<200x128xi32, #tpu.memory_space<vmem>> -> memref<1x128xi32, #tpu.memory_space<vmem>>
      %dma_start3A_648 = tpu.memref_squeeze %dma_start3A_647 : memref<1x128xi32, #tpu.memory_space<vmem>> -> memref<128xi32, #tpu.memory_space<vmem>>
      %dma_start3A_649 = arith.constant 0 : i32
      %dma_start3A_650 = arith.constant 0 : i32
      %dma_start3A_651 = tpu.memref_slice %arg3[%dma_start3A_649, %dma_start3A_650] : memref<1000000x64xf32, #tpu.memory_space<hbm>> -> memref<1000000x64xf32, #tpu.memory_space<hbm>>
      %dma_start3A_652 = tpu.memref_slice %arg7[%dma_start3A_641] : memref<4x!tpu.dma_semaphore, #tpu.memory_space<semaphore_mem>> -> memref<1x!tpu.dma_semaphore, #tpu.memory_space<semaphore_mem>>
      %dma_start3A_653 = tpu.memref_squeeze %dma_start3A_652 : memref<1x!tpu.dma_semaphore, #tpu.memory_space<semaphore_mem>> -> memref<!tpu.dma_semaphore, #tpu.memory_space<semaphore_mem>>
      tpu.enqueue_indirect_dma source(%dma_start3A_651 : memref<1000000x64xf32, #tpu.memory_space<hbm>>) target(%dma_start3A_645 : memref<128x64xf32, #tpu.memory_space<vmem>>) offsets(%dma_start3A_648 : memref<128xi32, #tpu.memory_space<vmem>>) semaphore(%dma_start3A_653 : memref<!tpu.dma_semaphore, #tpu.memory_space<semaphore_mem>>)
      %dma_wait3A_654 = arith.constant 1 : i32
      %dma_wait3A_655 = arith.constant 1 : i32
      %dma_wait3A_656 = arith.constant 0 : i32
      %dma_wait3A_657 = arith.constant 0 : i32
      %dma_wait3A_658 = tpu.memref_slice %arg6[%dma_wait3A_654, %dma_wait3A_656, %dma_wait3A_657] : memref<4x128x64xf32, #tpu.memory_space<vmem>> -> memref<1x128x64xf32, #tpu.memory_space<vmem>>
      %dma_wait3A_659 = tpu.memref_squeeze %dma_wait3A_658 : memref<1x128x64xf32, #tpu.memory_space<vmem>> -> memref<128x64xf32, #tpu.memory_space<vmem>>
      %dma_wait3A_660 = arith.constant 0 : i32
      %dma_wait3A_661 = arith.constant 0 : i32
      %dma_wait3A_662 = tpu.memref_slice %arg3[%dma_wait3A_660, %dma_wait3A_661] : memref<1000000x64xf32, #tpu.memory_space<hbm>> -> memref<128x64xf32, #tpu.memory_space<hbm>>
      %dma_wait3A_663 = tpu.memref_slice %arg7[%dma_wait3A_655] : memref<4x!tpu.dma_semaphore, #tpu.memory_space<semaphore_mem>> -> memref<1x!tpu.dma_semaphore, #tpu.memory_space<semaphore_mem>>
      %dma_wait3A_664 = tpu.memref_squeeze %dma_wait3A_663 : memref<1x!tpu.dma_semaphore, #tpu.memory_space<semaphore_mem>> -> memref<!tpu.dma_semaphore, #tpu.memory_space<semaphore_mem>>
      %dma_wait3A_665 = arith.constant 0 : i32
      %dma_wait3A_666 = arith.constant 0 : i32
      %dma_wait3A_667 = tpu.memref_slice %arg6[%dma_wait3A_654, %dma_wait3A_665, %dma_wait3A_666] : memref<4x128x64xf32, #tpu.memory_space<vmem>> -> memref<1x128x64xf32, #tpu.memory_space<vmem>>
      %dma_wait3A_668 = tpu.memref_squeeze %dma_wait3A_667 : memref<1x128x64xf32, #tpu.memory_space<vmem>> -> memref<128x64xf32, #tpu.memory_space<vmem>>
      %dma_wait3A_669 = arith.constant 0 : i32
      %dma_wait3A_670 = arith.constant 0 : i32
      %dma_wait3A_671 = tpu.memref_slice %arg3[%dma_wait3A_669, %dma_wait3A_670] : memref<1000000x64xf32, #tpu.memory_space<hbm>> -> memref<128x64xf32, #tpu.memory_space<hbm>>
      tpu.wait_dma2 semaphore(%dma_wait3A_664 : memref<!tpu.dma_semaphore, #tpu.memory_space<semaphore_mem>>) src(%dma_wait3A_671 : memref<128x64xf32, #tpu.memory_space<hbm>>) dst(%dma_wait3A_668 : memref<128x64xf32, #tpu.memory_space<vmem>>)
      %mul3A_672 = arith.constant 128 : i32
      %mul3A_673 = arith.muli %add3A_621, %mul3A_672 : i32
      %add3A_674 = arith.addi %mul3A_2, %mul3A_673 : i32
      %dma_start3A_675 = arith.constant 1 : i32
      %dma_start3A_676 = arith.constant 1 : i32
      %dma_start3A_677 = arith.constant 0 : i32
      %dma_start3A_678 = arith.constant 0 : i32
      %dma_start3A_679 = tpu.memref_slice %arg6[%dma_start3A_675, %dma_start3A_677, %dma_start3A_678] : memref<4x128x64xf32, #tpu.memory_space<vmem>> -> memref<1x128x64xf32, #tpu.memory_space<vmem>>
      %dma_start3A_680 = tpu.memref_squeeze %dma_start3A_679 : memref<1x128x64xf32, #tpu.memory_space<vmem>> -> memref<128x64xf32, #tpu.memory_space<vmem>>
      %dma_start3A_681 = arith.constant 0 : i32
      %dma_start3A_682 = tpu.memref_slice %arg4[%add3A_674, %dma_start3A_681] : memref<819200x64xf32, #tpu.memory_space<hbm>> -> memref<128x64xf32, #tpu.memory_space<hbm>>
      %dma_start3A_683 = tpu.memref_slice %arg8[%dma_start3A_676] : memref<4x!tpu.dma_semaphore, #tpu.memory_space<semaphore_mem>> -> memref<1x!tpu.dma_semaphore, #tpu.memory_space<semaphore_mem>>
      %dma_start3A_684 = tpu.memref_squeeze %dma_start3A_683 : memref<1x!tpu.dma_semaphore, #tpu.memory_space<semaphore_mem>> -> memref<!tpu.dma_semaphore, #tpu.memory_space<semaphore_mem>>
      %dma_start3A_685 = arith.constant 0 : i32
      %dma_start3A_686 = tpu.memref_slice %arg4[%add3A_674, %dma_start3A_685] : memref<819200x64xf32, #tpu.memory_space<hbm>> -> memref<128x64xf32, #tpu.memory_space<hbm>>
      %dma_start3A_687 = arith.constant 0 : i32
      %dma_start3A_688 = arith.constant 0 : i32
      %dma_start3A_689 = tpu.memref_slice %arg6[%dma_start3A_675, %dma_start3A_687, %dma_start3A_688] : memref<4x128x64xf32, #tpu.memory_space<vmem>> -> memref<1x128x64xf32, #tpu.memory_space<vmem>>
      %dma_start3A_690 = tpu.memref_squeeze %dma_start3A_689 : memref<1x128x64xf32, #tpu.memory_space<vmem>> -> memref<128x64xf32, #tpu.memory_space<vmem>>
      tpu.enqueue_dma source(%dma_start3A_690 : memref<128x64xf32, #tpu.memory_space<vmem>>) target(%dma_start3A_686 : memref<128x64xf32, #tpu.memory_space<hbm>>) target_semaphore(%dma_start3A_684 : memref<!tpu.dma_semaphore, #tpu.memory_space<semaphore_mem>>)
      %mul3A_691 = arith.constant 4 : i32
      %mul3A_692 = arith.muli %scan3A_543, %mul3A_691 : i32
      %add3A_693 = arith.constant 2 : i32
      %add3A_694 = arith.addi %mul3A_692, %add3A_693 : i32
      %dma_wait3A_695 = arith.constant 0 : i32
      %dma_wait3A_696 = arith.constant 0 : i32
      %dma_wait3A_697 = arith.constant 0 : i32
      %dma_wait3A_698 = arith.constant 0 : i32
      %dma_wait3A_699 = tpu.memref_slice %arg6[%dma_wait3A_695, %dma_wait3A_697, %dma_wait3A_698] : memref<4x128x64xf32, #tpu.memory_space<vmem>> -> memref<1x128x64xf32, #tpu.memory_space<vmem>>
      %dma_wait3A_700 = tpu.memref_squeeze %dma_wait3A_699 : memref<1x128x64xf32, #tpu.memory_space<vmem>> -> memref<128x64xf32, #tpu.memory_space<vmem>>
      %dma_wait3A_701 = arith.constant 0 : i32
      %dma_wait3A_702 = tpu.memref_slice %arg4[%mul3A_2, %dma_wait3A_701] : memref<819200x64xf32, #tpu.memory_space<hbm>> -> memref<128x64xf32, #tpu.memory_space<hbm>>
      %dma_wait3A_703 = tpu.memref_slice %arg8[%dma_wait3A_696] : memref<4x!tpu.dma_semaphore, #tpu.memory_space<semaphore_mem>> -> memref<1x!tpu.dma_semaphore, #tpu.memory_space<semaphore_mem>>
      %dma_wait3A_704 = tpu.memref_squeeze %dma_wait3A_703 : memref<1x!tpu.dma_semaphore, #tpu.memory_space<semaphore_mem>> -> memref<!tpu.dma_semaphore, #tpu.memory_space<semaphore_mem>>
      %dma_wait3A_705 = arith.constant 0 : i32
      %dma_wait3A_706 = tpu.memref_slice %arg4[%mul3A_2, %dma_wait3A_705] : memref<819200x64xf32, #tpu.memory_space<hbm>> -> memref<128x64xf32, #tpu.memory_space<hbm>>
      %dma_wait3A_707 = arith.constant 0 : i32
      %dma_wait3A_708 = arith.constant 0 : i32
      %dma_wait3A_709 = tpu.memref_slice %arg6[%dma_wait3A_695, %dma_wait3A_707, %dma_wait3A_708] : memref<4x128x64xf32, #tpu.memory_space<vmem>> -> memref<1x128x64xf32, #tpu.memory_space<vmem>>
      %dma_wait3A_710 = tpu.memref_squeeze %dma_wait3A_709 : memref<1x128x64xf32, #tpu.memory_space<vmem>> -> memref<128x64xf32, #tpu.memory_space<vmem>>
      tpu.wait_dma2 semaphore(%dma_wait3A_704 : memref<!tpu.dma_semaphore, #tpu.memory_space<semaphore_mem>>) src(%dma_wait3A_710 : memref<128x64xf32, #tpu.memory_space<vmem>>) dst(%dma_wait3A_706 : memref<128x64xf32, #tpu.memory_space<hbm>>)
      %add3A_711 = arith.constant 2 : i32
      %add3A_712 = arith.addi %add3A_694, %add3A_711 : i32
      %dma_start3A_713 = arith.constant 0 : i32
      %dma_start3A_714 = arith.constant 0 : i32
      %dma_start3A_715 = arith.constant 0 : i32
      %dma_start3A_716 = arith.constant 0 : i32
      %dma_start3A_717 = tpu.memref_slice %arg6[%dma_start3A_713, %dma_start3A_715, %dma_start3A_716] : memref<4x128x64xf32, #tpu.memory_space<vmem>> -> memref<1x128x64xf32, #tpu.memory_space<vmem>>
      %dma_start3A_718 = tpu.memref_squeeze %dma_start3A_717 : memref<1x128x64xf32, #tpu.memory_space<vmem>> -> memref<128x64xf32, #tpu.memory_space<vmem>>
      %dma_start3A_719 = arith.constant 0 : i32
      %dma_start3A_720 = tpu.memref_slice %arg5[%add3A_712, %dma_start3A_719] : memref<200x128xi32, #tpu.memory_space<vmem>> -> memref<1x128xi32, #tpu.memory_space<vmem>>
      %dma_start3A_721 = tpu.memref_squeeze %dma_start3A_720 : memref<1x128xi32, #tpu.memory_space<vmem>> -> memref<128xi32, #tpu.memory_space<vmem>>
      %dma_start3A_722 = arith.constant 0 : i32
      %dma_start3A_723 = arith.constant 0 : i32
      %dma_start3A_724 = tpu.memref_slice %arg3[%dma_start3A_722, %dma_start3A_723] : memref<1000000x64xf32, #tpu.memory_space<hbm>> -> memref<1000000x64xf32, #tpu.memory_space<hbm>>
      %dma_start3A_725 = tpu.memref_slice %arg7[%dma_start3A_714] : memref<4x!tpu.dma_semaphore, #tpu.memory_space<semaphore_mem>> -> memref<1x!tpu.dma_semaphore, #tpu.memory_space<semaphore_mem>>
      %dma_start3A_726 = tpu.memref_squeeze %dma_start3A_725 : memref<1x!tpu.dma_semaphore, #tpu.memory_space<semaphore_mem>> -> memref<!tpu.dma_semaphore, #tpu.memory_space<semaphore_mem>>
      tpu.enqueue_indirect_dma source(%dma_start3A_724 : memref<1000000x64xf32, #tpu.memory_space<hbm>>) target(%dma_start3A_718 : memref<128x64xf32, #tpu.memory_space<vmem>>) offsets(%dma_start3A_721 : memref<128xi32, #tpu.memory_space<vmem>>) semaphore(%dma_start3A_726 : memref<!tpu.dma_semaphore, #tpu.memory_space<semaphore_mem>>)
      %dma_wait3A_727 = arith.constant 2 : i32
      %dma_wait3A_728 = arith.constant 2 : i32
      %dma_wait3A_729 = arith.constant 0 : i32
      %dma_wait3A_730 = arith.constant 0 : i32
      %dma_wait3A_731 = tpu.memref_slice %arg6[%dma_wait3A_727, %dma_wait3A_729, %dma_wait3A_730] : memref<4x128x64xf32, #tpu.memory_space<vmem>> -> memref<1x128x64xf32, #tpu.memory_space<vmem>>
      %dma_wait3A_732 = tpu.memref_squeeze %dma_wait3A_731 : memref<1x128x64xf32, #tpu.memory_space<vmem>> -> memref<128x64xf32, #tpu.memory_space<vmem>>
      %dma_wait3A_733 = arith.constant 0 : i32
      %dma_wait3A_734 = arith.constant 0 : i32
      %dma_wait3A_735 = tpu.memref_slice %arg3[%dma_wait3A_733, %dma_wait3A_734] : memref<1000000x64xf32, #tpu.memory_space<hbm>> -> memref<128x64xf32, #tpu.memory_space<hbm>>
      %dma_wait3A_736 = tpu.memref_slice %arg7[%dma_wait3A_728] : memref<4x!tpu.dma_semaphore, #tpu.memory_space<semaphore_mem>> -> memref<1x!tpu.dma_semaphore, #tpu.memory_space<semaphore_mem>>
      %dma_wait3A_737 = tpu.memref_squeeze %dma_wait3A_736 : memref<1x!tpu.dma_semaphore, #tpu.memory_space<semaphore_mem>> -> memref<!tpu.dma_semaphore, #tpu.memory_space<semaphore_mem>>
      %dma_wait3A_738 = arith.constant 0 : i32
      %dma_wait3A_739 = arith.constant 0 : i32
      %dma_wait3A_740 = tpu.memref_slice %arg6[%dma_wait3A_727, %dma_wait3A_738, %dma_wait3A_739] : memref<4x128x64xf32, #tpu.memory_space<vmem>> -> memref<1x128x64xf32, #tpu.memory_space<vmem>>
      %dma_wait3A_741 = tpu.memref_squeeze %dma_wait3A_740 : memref<1x128x64xf32, #tpu.memory_space<vmem>> -> memref<128x64xf32, #tpu.memory_space<vmem>>
      %dma_wait3A_742 = arith.constant 0 : i32
      %dma_wait3A_743 = arith.constant 0 : i32
      %dma_wait3A_744 = tpu.memref_slice %arg3[%dma_wait3A_742, %dma_wait3A_743] : memref<1000000x64xf32, #tpu.memory_space<hbm>> -> memref<128x64xf32, #tpu.memory_space<hbm>>
      tpu.wait_dma2 semaphore(%dma_wait3A_737 : memref<!tpu.dma_semaphore, #tpu.memory_space<semaphore_mem>>) src(%dma_wait3A_744 : memref<128x64xf32, #tpu.memory_space<hbm>>) dst(%dma_wait3A_741 : memref<128x64xf32, #tpu.memory_space<vmem>>)
      %mul3A_745 = arith.constant 128 : i32
      %mul3A_746 = arith.muli %add3A_694, %mul3A_745 : i32
      %add3A_747 = arith.addi %mul3A_2, %mul3A_746 : i32
      %dma_start3A_748 = arith.constant 2 : i32
      %dma_start3A_749 = arith.constant 2 : i32
      %dma_start3A_750 = arith.constant 0 : i32
      %dma_start3A_751 = arith.constant 0 : i32
      %dma_start3A_752 = tpu.memref_slice %arg6[%dma_start3A_748, %dma_start3A_750, %dma_start3A_751] : memref<4x128x64xf32, #tpu.memory_space<vmem>> -> memref<1x128x64xf32, #tpu.memory_space<vmem>>
      %dma_start3A_753 = tpu.memref_squeeze %dma_start3A_752 : memref<1x128x64xf32, #tpu.memory_space<vmem>> -> memref<128x64xf32, #tpu.memory_space<vmem>>
      %dma_start3A_754 = arith.constant 0 : i32
      %dma_start3A_755 = tpu.memref_slice %arg4[%add3A_747, %dma_start3A_754] : memref<819200x64xf32, #tpu.memory_space<hbm>> -> memref<128x64xf32, #tpu.memory_space<hbm>>
      %dma_start3A_756 = tpu.memref_slice %arg8[%dma_start3A_749] : memref<4x!tpu.dma_semaphore, #tpu.memory_space<semaphore_mem>> -> memref<1x!tpu.dma_semaphore, #tpu.memory_space<semaphore_mem>>
      %dma_start3A_757 = tpu.memref_squeeze %dma_start3A_756 : memref<1x!tpu.dma_semaphore, #tpu.memory_space<semaphore_mem>> -> memref<!tpu.dma_semaphore, #tpu.memory_space<semaphore_mem>>
      %dma_start3A_758 = arith.constant 0 : i32
      %dma_start3A_759 = tpu.memref_slice %arg4[%add3A_747, %dma_start3A_758] : memref<819200x64xf32, #tpu.memory_space<hbm>> -> memref<128x64xf32, #tpu.memory_space<hbm>>
      %dma_start3A_760 = arith.constant 0 : i32
      %dma_start3A_761 = arith.constant 0 : i32
      %dma_start3A_762 = tpu.memref_slice %arg6[%dma_start3A_748, %dma_start3A_760, %dma_start3A_761] : memref<4x128x64xf32, #tpu.memory_space<vmem>> -> memref<1x128x64xf32, #tpu.memory_space<vmem>>
      %dma_start3A_763 = tpu.memref_squeeze %dma_start3A_762 : memref<1x128x64xf32, #tpu.memory_space<vmem>> -> memref<128x64xf32, #tpu.memory_space<vmem>>
      tpu.enqueue_dma source(%dma_start3A_763 : memref<128x64xf32, #tpu.memory_space<vmem>>) target(%dma_start3A_759 : memref<128x64xf32, #tpu.memory_space<hbm>>) target_semaphore(%dma_start3A_757 : memref<!tpu.dma_semaphore, #tpu.memory_space<semaphore_mem>>)
      %mul3A_764 = arith.constant 4 : i32
      %mul3A_765 = arith.muli %scan3A_543, %mul3A_764 : i32
      %add3A_766 = arith.constant 3 : i32
      %add3A_767 = arith.addi %mul3A_765, %add3A_766 : i32
      %dma_wait3A_768 = arith.constant 1 : i32
      %dma_wait3A_769 = arith.constant 1 : i32
      %dma_wait3A_770 = arith.constant 0 : i32
      %dma_wait3A_771 = arith.constant 0 : i32
      %dma_wait3A_772 = tpu.memref_slice %arg6[%dma_wait3A_768, %dma_wait3A_770, %dma_wait3A_771] : memref<4x128x64xf32, #tpu.memory_space<vmem>> -> memref<1x128x64xf32, #tpu.memory_space<vmem>>
      %dma_wait3A_773 = tpu.memref_squeeze %dma_wait3A_772 : memref<1x128x64xf32, #tpu.memory_space<vmem>> -> memref<128x64xf32, #tpu.memory_space<vmem>>
      %dma_wait3A_774 = arith.constant 0 : i32
      %dma_wait3A_775 = tpu.memref_slice %arg4[%mul3A_2, %dma_wait3A_774] : memref<819200x64xf32, #tpu.memory_space<hbm>> -> memref<128x64xf32, #tpu.memory_space<hbm>>
      %dma_wait3A_776 = tpu.memref_slice %arg8[%dma_wait3A_769] : memref<4x!tpu.dma_semaphore, #tpu.memory_space<semaphore_mem>> -> memref<1x!tpu.dma_semaphore, #tpu.memory_space<semaphore_mem>>
      %dma_wait3A_777 = tpu.memref_squeeze %dma_wait3A_776 : memref<1x!tpu.dma_semaphore, #tpu.memory_space<semaphore_mem>> -> memref<!tpu.dma_semaphore, #tpu.memory_space<semaphore_mem>>
      %dma_wait3A_778 = arith.constant 0 : i32
      %dma_wait3A_779 = tpu.memref_slice %arg4[%mul3A_2, %dma_wait3A_778] : memref<819200x64xf32, #tpu.memory_space<hbm>> -> memref<128x64xf32, #tpu.memory_space<hbm>>
      %dma_wait3A_780 = arith.constant 0 : i32
      %dma_wait3A_781 = arith.constant 0 : i32
      %dma_wait3A_782 = tpu.memref_slice %arg6[%dma_wait3A_768, %dma_wait3A_780, %dma_wait3A_781] : memref<4x128x64xf32, #tpu.memory_space<vmem>> -> memref<1x128x64xf32, #tpu.memory_space<vmem>>
      %dma_wait3A_783 = tpu.memref_squeeze %dma_wait3A_782 : memref<1x128x64xf32, #tpu.memory_space<vmem>> -> memref<128x64xf32, #tpu.memory_space<vmem>>
      tpu.wait_dma2 semaphore(%dma_wait3A_777 : memref<!tpu.dma_semaphore, #tpu.memory_space<semaphore_mem>>) src(%dma_wait3A_783 : memref<128x64xf32, #tpu.memory_space<vmem>>) dst(%dma_wait3A_779 : memref<128x64xf32, #tpu.memory_space<hbm>>)
      %add3A_784 = arith.constant 2 : i32
      %add3A_785 = arith.addi %add3A_767, %add3A_784 : i32
      %dma_start3A_786 = arith.constant 1 : i32
      %dma_start3A_787 = arith.constant 1 : i32
      %dma_start3A_788 = arith.constant 0 : i32
      %dma_start3A_789 = arith.constant 0 : i32
      %dma_start3A_790 = tpu.memref_slice %arg6[%dma_start3A_786, %dma_start3A_788, %dma_start3A_789] : memref<4x128x64xf32, #tpu.memory_space<vmem>> -> memref<1x128x64xf32, #tpu.memory_space<vmem>>
      %dma_start3A_791 = tpu.memref_squeeze %dma_start3A_790 : memref<1x128x64xf32, #tpu.memory_space<vmem>> -> memref<128x64xf32, #tpu.memory_space<vmem>>
      %dma_start3A_792 = arith.constant 0 : i32
      %dma_start3A_793 = tpu.memref_slice %arg5[%add3A_785, %dma_start3A_792] : memref<200x128xi32, #tpu.memory_space<vmem>> -> memref<1x128xi32, #tpu.memory_space<vmem>>
      %dma_start3A_794 = tpu.memref_squeeze %dma_start3A_793 : memref<1x128xi32, #tpu.memory_space<vmem>> -> memref<128xi32, #tpu.memory_space<vmem>>
      %dma_start3A_795 = arith.constant 0 : i32
      %dma_start3A_796 = arith.constant 0 : i32
      %dma_start3A_797 = tpu.memref_slice %arg3[%dma_start3A_795, %dma_start3A_796] : memref<1000000x64xf32, #tpu.memory_space<hbm>> -> memref<1000000x64xf32, #tpu.memory_space<hbm>>
      %dma_start3A_798 = tpu.memref_slice %arg7[%dma_start3A_787] : memref<4x!tpu.dma_semaphore, #tpu.memory_space<semaphore_mem>> -> memref<1x!tpu.dma_semaphore, #tpu.memory_space<semaphore_mem>>
      %dma_start3A_799 = tpu.memref_squeeze %dma_start3A_798 : memref<1x!tpu.dma_semaphore, #tpu.memory_space<semaphore_mem>> -> memref<!tpu.dma_semaphore, #tpu.memory_space<semaphore_mem>>
      tpu.enqueue_indirect_dma source(%dma_start3A_797 : memref<1000000x64xf32, #tpu.memory_space<hbm>>) target(%dma_start3A_791 : memref<128x64xf32, #tpu.memory_space<vmem>>) offsets(%dma_start3A_794 : memref<128xi32, #tpu.memory_space<vmem>>) semaphore(%dma_start3A_799 : memref<!tpu.dma_semaphore, #tpu.memory_space<semaphore_mem>>)
      %dma_wait3A_800 = arith.constant 3 : i32
      %dma_wait3A_801 = arith.constant 3 : i32
      %dma_wait3A_802 = arith.constant 0 : i32
      %dma_wait3A_803 = arith.constant 0 : i32
      %dma_wait3A_804 = tpu.memref_slice %arg6[%dma_wait3A_800, %dma_wait3A_802, %dma_wait3A_803] : memref<4x128x64xf32, #tpu.memory_space<vmem>> -> memref<1x128x64xf32, #tpu.memory_space<vmem>>
      %dma_wait3A_805 = tpu.memref_squeeze %dma_wait3A_804 : memref<1x128x64xf32, #tpu.memory_space<vmem>> -> memref<128x64xf32, #tpu.memory_space<vmem>>
      %dma_wait3A_806 = arith.constant 0 : i32
      %dma_wait3A_807 = arith.constant 0 : i32
      %dma_wait3A_808 = tpu.memref_slice %arg3[%dma_wait3A_806, %dma_wait3A_807] : memref<1000000x64xf32, #tpu.memory_space<hbm>> -> memref<128x64xf32, #tpu.memory_space<hbm>>
      %dma_wait3A_809 = tpu.memref_slice %arg7[%dma_wait3A_801] : memref<4x!tpu.dma_semaphore, #tpu.memory_space<semaphore_mem>> -> memref<1x!tpu.dma_semaphore, #tpu.memory_space<semaphore_mem>>
      %dma_wait3A_810 = tpu.memref_squeeze %dma_wait3A_809 : memref<1x!tpu.dma_semaphore, #tpu.memory_space<semaphore_mem>> -> memref<!tpu.dma_semaphore, #tpu.memory_space<semaphore_mem>>
      %dma_wait3A_811 = arith.constant 0 : i32
      %dma_wait3A_812 = arith.constant 0 : i32
      %dma_wait3A_813 = tpu.memref_slice %arg6[%dma_wait3A_800, %dma_wait3A_811, %dma_wait3A_812] : memref<4x128x64xf32, #tpu.memory_space<vmem>> -> memref<1x128x64xf32, #tpu.memory_space<vmem>>
      %dma_wait3A_814 = tpu.memref_squeeze %dma_wait3A_813 : memref<1x128x64xf32, #tpu.memory_space<vmem>> -> memref<128x64xf32, #tpu.memory_space<vmem>>
      %dma_wait3A_815 = arith.constant 0 : i32
      %dma_wait3A_816 = arith.constant 0 : i32
      %dma_wait3A_817 = tpu.memref_slice %arg3[%dma_wait3A_815, %dma_wait3A_816] : memref<1000000x64xf32, #tpu.memory_space<hbm>> -> memref<128x64xf32, #tpu.memory_space<hbm>>
      tpu.wait_dma2 semaphore(%dma_wait3A_810 : memref<!tpu.dma_semaphore, #tpu.memory_space<semaphore_mem>>) src(%dma_wait3A_817 : memref<128x64xf32, #tpu.memory_space<hbm>>) dst(%dma_wait3A_814 : memref<128x64xf32, #tpu.memory_space<vmem>>)
      %mul3A_818 = arith.constant 128 : i32
      %mul3A_819 = arith.muli %add3A_767, %mul3A_818 : i32
      %add3A_820 = arith.addi %mul3A_2, %mul3A_819 : i32
      %dma_start3A_821 = arith.constant 3 : i32
      %dma_start3A_822 = arith.constant 3 : i32
      %dma_start3A_823 = arith.constant 0 : i32
      %dma_start3A_824 = arith.constant 0 : i32
      %dma_start3A_825 = tpu.memref_slice %arg6[%dma_start3A_821, %dma_start3A_823, %dma_start3A_824] : memref<4x128x64xf32, #tpu.memory_space<vmem>> -> memref<1x128x64xf32, #tpu.memory_space<vmem>>
      %dma_start3A_826 = tpu.memref_squeeze %dma_start3A_825 : memref<1x128x64xf32, #tpu.memory_space<vmem>> -> memref<128x64xf32, #tpu.memory_space<vmem>>
      %dma_start3A_827 = arith.constant 0 : i32
      %dma_start3A_828 = tpu.memref_slice %arg4[%add3A_820, %dma_start3A_827] : memref<819200x64xf32, #tpu.memory_space<hbm>> -> memref<128x64xf32, #tpu.memory_space<hbm>>
      %dma_start3A_829 = tpu.memref_slice %arg8[%dma_start3A_822] : memref<4x!tpu.dma_semaphore, #tpu.memory_space<semaphore_mem>> -> memref<1x!tpu.dma_semaphore, #tpu.memory_space<semaphore_mem>>
      %dma_start3A_830 = tpu.memref_squeeze %dma_start3A_829 : memref<1x!tpu.dma_semaphore, #tpu.memory_space<semaphore_mem>> -> memref<!tpu.dma_semaphore, #tpu.memory_space<semaphore_mem>>
      %dma_start3A_831 = arith.constant 0 : i32
      %dma_start3A_832 = tpu.memref_slice %arg4[%add3A_820, %dma_start3A_831] : memref<819200x64xf32, #tpu.memory_space<hbm>> -> memref<128x64xf32, #tpu.memory_space<hbm>>
      %dma_start3A_833 = arith.constant 0 : i32
      %dma_start3A_834 = arith.constant 0 : i32
      %dma_start3A_835 = tpu.memref_slice %arg6[%dma_start3A_821, %dma_start3A_833, %dma_start3A_834] : memref<4x128x64xf32, #tpu.memory_space<vmem>> -> memref<1x128x64xf32, #tpu.memory_space<vmem>>
      %dma_start3A_836 = tpu.memref_squeeze %dma_start3A_835 : memref<1x128x64xf32, #tpu.memory_space<vmem>> -> memref<128x64xf32, #tpu.memory_space<vmem>>
      tpu.enqueue_dma source(%dma_start3A_836 : memref<128x64xf32, #tpu.memory_space<vmem>>) target(%dma_start3A_832 : memref<128x64xf32, #tpu.memory_space<hbm>>) target_semaphore(%dma_start3A_830 : memref<!tpu.dma_semaphore, #tpu.memory_space<semaphore_mem>>)
      %scan3A_837 = arith.constant 0 : i32
      scf.yield %scan3A_837 : i32
    }
    %scan3A_272 = arith.constant 48 : i32
    %dma_wait3A_273 = arith.constant 2 : i32
    %dma_wait3A_274 = arith.constant 2 : i32
    %dma_wait3A_275 = arith.constant 0 : i32
    %dma_wait3A_276 = arith.constant 0 : i32
    %dma_wait3A_277 = tpu.memref_slice %arg6[%dma_wait3A_273, %dma_wait3A_275, %dma_wait3A_276] : memref<4x128x64xf32, #tpu.memory_space<vmem>> -> memref<1x128x64xf32, #tpu.memory_space<vmem>>
    %dma_wait3A_278 = tpu.memref_squeeze %dma_wait3A_277 : memref<1x128x64xf32, #tpu.memory_space<vmem>> -> memref<128x64xf32, #tpu.memory_space<vmem>>
    %dma_wait3A_279 = arith.constant 0 : i32
    %dma_wait3A_280 = tpu.memref_slice %arg4[%mul3A_2, %dma_wait3A_279] : memref<819200x64xf32, #tpu.memory_space<hbm>> -> memref<128x64xf32, #tpu.memory_space<hbm>>
    %dma_wait3A_281 = tpu.memref_slice %arg8[%dma_wait3A_274] : memref<4x!tpu.dma_semaphore, #tpu.memory_space<semaphore_mem>> -> memref<1x!tpu.dma_semaphore, #tpu.memory_space<semaphore_mem>>
    %dma_wait3A_282 = tpu.memref_squeeze %dma_wait3A_281 : memref<1x!tpu.dma_semaphore, #tpu.memory_space<semaphore_mem>> -> memref<!tpu.dma_semaphore, #tpu.memory_space<semaphore_mem>>
    %dma_wait3A_283 = arith.constant 0 : i32
    %dma_wait3A_284 = tpu.memref_slice %arg4[%mul3A_2, %dma_wait3A_283] : memref<819200x64xf32, #tpu.memory_space<hbm>> -> memref<128x64xf32, #tpu.memory_space<hbm>>
    %dma_wait3A_285 = arith.constant 0 : i32
    %dma_wait3A_286 = arith.constant 0 : i32
    %dma_wait3A_287 = tpu.memref_slice %arg6[%dma_wait3A_273, %dma_wait3A_285, %dma_wait3A_286] : memref<4x128x64xf32, #tpu.memory_space<vmem>> -> memref<1x128x64xf32, #tpu.memory_space<vmem>>
    %dma_wait3A_288 = tpu.memref_squeeze %dma_wait3A_287 : memref<1x128x64xf32, #tpu.memory_space<vmem>> -> memref<128x64xf32, #tpu.memory_space<vmem>>
    tpu.wait_dma2 semaphore(%dma_wait3A_282 : memref<!tpu.dma_semaphore, #tpu.memory_space<semaphore_mem>>) src(%dma_wait3A_288 : memref<128x64xf32, #tpu.memory_space<vmem>>) dst(%dma_wait3A_284 : memref<128x64xf32, #tpu.memory_space<hbm>>)
    %dma_start3A_289 = arith.constant 198 : i32
    %dma_start3A_290 = arith.constant 2 : i32
    %dma_start3A_291 = arith.constant 2 : i32
    %dma_start3A_292 = arith.constant 0 : i32
    %dma_start3A_293 = arith.constant 0 : i32
    %dma_start3A_294 = tpu.memref_slice %arg6[%dma_start3A_290, %dma_start3A_292, %dma_start3A_293] : memref<4x128x64xf32, #tpu.memory_space<vmem>> -> memref<1x128x64xf32, #tpu.memory_space<vmem>>
    %dma_start3A_295 = tpu.memref_squeeze %dma_start3A_294 : memref<1x128x64xf32, #tpu.memory_space<vmem>> -> memref<128x64xf32, #tpu.memory_space<vmem>>
    %dma_start3A_296 = arith.constant 0 : i32
    %dma_start3A_297 = tpu.memref_slice %arg5[%dma_start3A_289, %dma_start3A_296] : memref<200x128xi32, #tpu.memory_space<vmem>> -> memref<1x128xi32, #tpu.memory_space<vmem>>
    %dma_start3A_298 = tpu.memref_squeeze %dma_start3A_297 : memref<1x128xi32, #tpu.memory_space<vmem>> -> memref<128xi32, #tpu.memory_space<vmem>>
    %dma_start3A_299 = arith.constant 0 : i32
    %dma_start3A_300 = arith.constant 0 : i32
    %dma_start3A_301 = tpu.memref_slice %arg3[%dma_start3A_299, %dma_start3A_300] : memref<1000000x64xf32, #tpu.memory_space<hbm>> -> memref<1000000x64xf32, #tpu.memory_space<hbm>>
    %dma_start3A_302 = tpu.memref_slice %arg7[%dma_start3A_291] : memref<4x!tpu.dma_semaphore, #tpu.memory_space<semaphore_mem>> -> memref<1x!tpu.dma_semaphore, #tpu.memory_space<semaphore_mem>>
    %dma_start3A_303 = tpu.memref_squeeze %dma_start3A_302 : memref<1x!tpu.dma_semaphore, #tpu.memory_space<semaphore_mem>> -> memref<!tpu.dma_semaphore, #tpu.memory_space<semaphore_mem>>
    tpu.enqueue_indirect_dma source(%dma_start3A_301 : memref<1000000x64xf32, #tpu.memory_space<hbm>>) target(%dma_start3A_295 : memref<128x64xf32, #tpu.memory_space<vmem>>) offsets(%dma_start3A_298 : memref<128xi32, #tpu.memory_space<vmem>>) semaphore(%dma_start3A_303 : memref<!tpu.dma_semaphore, #tpu.memory_space<semaphore_mem>>)
    %dma_wait3A_304 = arith.constant 0 : i32
    %dma_wait3A_305 = arith.constant 0 : i32
    %dma_wait3A_306 = arith.constant 0 : i32
    %dma_wait3A_307 = arith.constant 0 : i32
    %dma_wait3A_308 = tpu.memref_slice %arg6[%dma_wait3A_304, %dma_wait3A_306, %dma_wait3A_307] : memref<4x128x64xf32, #tpu.memory_space<vmem>> -> memref<1x128x64xf32, #tpu.memory_space<vmem>>
    %dma_wait3A_309 = tpu.memref_squeeze %dma_wait3A_308 : memref<1x128x64xf32, #tpu.memory_space<vmem>> -> memref<128x64xf32, #tpu.memory_space<vmem>>
    %dma_wait3A_310 = arith.constant 0 : i32
    %dma_wait3A_311 = arith.constant 0 : i32
    %dma_wait3A_312 = tpu.memref_slice %arg3[%dma_wait3A_310, %dma_wait3A_311] : memref<1000000x64xf32, #tpu.memory_space<hbm>> -> memref<128x64xf32, #tpu.memory_space<hbm>>
    %dma_wait3A_313 = tpu.memref_slice %arg7[%dma_wait3A_305] : memref<4x!tpu.dma_semaphore, #tpu.memory_space<semaphore_mem>> -> memref<1x!tpu.dma_semaphore, #tpu.memory_space<semaphore_mem>>
    %dma_wait3A_314 = tpu.memref_squeeze %dma_wait3A_313 : memref<1x!tpu.dma_semaphore, #tpu.memory_space<semaphore_mem>> -> memref<!tpu.dma_semaphore, #tpu.memory_space<semaphore_mem>>
    %dma_wait3A_315 = arith.constant 0 : i32
    %dma_wait3A_316 = arith.constant 0 : i32
    %dma_wait3A_317 = tpu.memref_slice %arg6[%dma_wait3A_304, %dma_wait3A_315, %dma_wait3A_316] : memref<4x128x64xf32, #tpu.memory_space<vmem>> -> memref<1x128x64xf32, #tpu.memory_space<vmem>>
    %dma_wait3A_318 = tpu.memref_squeeze %dma_wait3A_317 : memref<1x128x64xf32, #tpu.memory_space<vmem>> -> memref<128x64xf32, #tpu.memory_space<vmem>>
    %dma_wait3A_319 = arith.constant 0 : i32
    %dma_wait3A_320 = arith.constant 0 : i32
    %dma_wait3A_321 = tpu.memref_slice %arg3[%dma_wait3A_319, %dma_wait3A_320] : memref<1000000x64xf32, #tpu.memory_space<hbm>> -> memref<128x64xf32, #tpu.memory_space<hbm>>
    tpu.wait_dma2 semaphore(%dma_wait3A_314 : memref<!tpu.dma_semaphore, #tpu.memory_space<semaphore_mem>>) src(%dma_wait3A_321 : memref<128x64xf32, #tpu.memory_space<hbm>>) dst(%dma_wait3A_318 : memref<128x64xf32, #tpu.memory_space<vmem>>)
    %add3A_322 = arith.constant 25088 : i32
    %add3A_323 = arith.addi %mul3A_2, %add3A_322 : i32
    %dma_start3A_324 = arith.constant 0 : i32
    %dma_start3A_325 = arith.constant 0 : i32
    %dma_start3A_326 = arith.constant 0 : i32
    %dma_start3A_327 = arith.constant 0 : i32
    %dma_start3A_328 = tpu.memref_slice %arg6[%dma_start3A_324, %dma_start3A_326, %dma_start3A_327] : memref<4x128x64xf32, #tpu.memory_space<vmem>> -> memref<1x128x64xf32, #tpu.memory_space<vmem>>
    %dma_start3A_329 = tpu.memref_squeeze %dma_start3A_328 : memref<1x128x64xf32, #tpu.memory_space<vmem>> -> memref<128x64xf32, #tpu.memory_space<vmem>>
    %dma_start3A_330 = arith.constant 0 : i32
    %dma_start3A_331 = tpu.memref_slice %arg4[%add3A_323, %dma_start3A_330] : memref<819200x64xf32, #tpu.memory_space<hbm>> -> memref<128x64xf32, #tpu.memory_space<hbm>>
    %dma_start3A_332 = tpu.memref_slice %arg8[%dma_start3A_325] : memref<4x!tpu.dma_semaphore, #tpu.memory_space<semaphore_mem>> -> memref<1x!tpu.dma_semaphore, #tpu.memory_space<semaphore_mem>>
    %dma_start3A_333 = tpu.memref_squeeze %dma_start3A_332 : memref<1x!tpu.dma_semaphore, #tpu.memory_space<semaphore_mem>> -> memref<!tpu.dma_semaphore, #tpu.memory_space<semaphore_mem>>
    %dma_start3A_334 = arith.constant 0 : i32
    %dma_start3A_335 = tpu.memref_slice %arg4[%add3A_323, %dma_start3A_334] : memref<819200x64xf32, #tpu.memory_space<hbm>> -> memref<128x64xf32, #tpu.memory_space<hbm>>
    %dma_start3A_336 = arith.constant 0 : i32
    %dma_start3A_337 = arith.constant 0 : i32
    %dma_start3A_338 = tpu.memref_slice %arg6[%dma_start3A_324, %dma_start3A_336, %dma_start3A_337] : memref<4x128x64xf32, #tpu.memory_space<vmem>> -> memref<1x128x64xf32, #tpu.memory_space<vmem>>
    %dma_start3A_339 = tpu.memref_squeeze %dma_start3A_338 : memref<1x128x64xf32, #tpu.memory_space<vmem>> -> memref<128x64xf32, #tpu.memory_space<vmem>>
    tpu.enqueue_dma source(%dma_start3A_339 : memref<128x64xf32, #tpu.memory_space<vmem>>) target(%dma_start3A_335 : memref<128x64xf32, #tpu.memory_space<hbm>>) target_semaphore(%dma_start3A_333 : memref<!tpu.dma_semaphore, #tpu.memory_space<semaphore_mem>>)
    %dma_wait3A_340 = arith.constant 3 : i32
    %dma_wait3A_341 = arith.constant 3 : i32
    %dma_wait3A_342 = arith.constant 0 : i32
    %dma_wait3A_343 = arith.constant 0 : i32
    %dma_wait3A_344 = tpu.memref_slice %arg6[%dma_wait3A_340, %dma_wait3A_342, %dma_wait3A_343] : memref<4x128x64xf32, #tpu.memory_space<vmem>> -> memref<1x128x64xf32, #tpu.memory_space<vmem>>
    %dma_wait3A_345 = tpu.memref_squeeze %dma_wait3A_344 : memref<1x128x64xf32, #tpu.memory_space<vmem>> -> memref<128x64xf32, #tpu.memory_space<vmem>>
    %dma_wait3A_346 = arith.constant 0 : i32
    %dma_wait3A_347 = tpu.memref_slice %arg4[%mul3A_2, %dma_wait3A_346] : memref<819200x64xf32, #tpu.memory_space<hbm>> -> memref<128x64xf32, #tpu.memory_space<hbm>>
    %dma_wait3A_348 = tpu.memref_slice %arg8[%dma_wait3A_341] : memref<4x!tpu.dma_semaphore, #tpu.memory_space<semaphore_mem>> -> memref<1x!tpu.dma_semaphore, #tpu.memory_space<semaphore_mem>>
    %dma_wait3A_349 = tpu.memref_squeeze %dma_wait3A_348 : memref<1x!tpu.dma_semaphore, #tpu.memory_space<semaphore_mem>> -> memref<!tpu.dma_semaphore, #tpu.memory_space<semaphore_mem>>
    %dma_wait3A_350 = arith.constant 0 : i32
    %dma_wait3A_351 = tpu.memref_slice %arg4[%mul3A_2, %dma_wait3A_350] : memref<819200x64xf32, #tpu.memory_space<hbm>> -> memref<128x64xf32, #tpu.memory_space<hbm>>
    %dma_wait3A_352 = arith.constant 0 : i32
    %dma_wait3A_353 = arith.constant 0 : i32
    %dma_wait3A_354 = tpu.memref_slice %arg6[%dma_wait3A_340, %dma_wait3A_352, %dma_wait3A_353] : memref<4x128x64xf32, #tpu.memory_space<vmem>> -> memref<1x128x64xf32, #tpu.memory_space<vmem>>
    %dma_wait3A_355 = tpu.memref_squeeze %dma_wait3A_354 : memref<1x128x64xf32, #tpu.memory_space<vmem>> -> memref<128x64xf32, #tpu.memory_space<vmem>>
    tpu.wait_dma2 semaphore(%dma_wait3A_349 : memref<!tpu.dma_semaphore, #tpu.memory_space<semaphore_mem>>) src(%dma_wait3A_355 : memref<128x64xf32, #tpu.memory_space<vmem>>) dst(%dma_wait3A_351 : memref<128x64xf32, #tpu.memory_space<hbm>>)
    %dma_start3A_356 = arith.constant 199 : i32
    %dma_start3A_357 = arith.constant 3 : i32
    %dma_start3A_358 = arith.constant 3 : i32
    %dma_start3A_359 = arith.constant 0 : i32
    %dma_start3A_360 = arith.constant 0 : i32
    %dma_start3A_361 = tpu.memref_slice %arg6[%dma_start3A_357, %dma_start3A_359, %dma_start3A_360] : memref<4x128x64xf32, #tpu.memory_space<vmem>> -> memref<1x128x64xf32, #tpu.memory_space<vmem>>
    %dma_start3A_362 = tpu.memref_squeeze %dma_start3A_361 : memref<1x128x64xf32, #tpu.memory_space<vmem>> -> memref<128x64xf32, #tpu.memory_space<vmem>>
    %dma_start3A_363 = arith.constant 0 : i32
    %dma_start3A_364 = tpu.memref_slice %arg5[%dma_start3A_356, %dma_start3A_363] : memref<200x128xi32, #tpu.memory_space<vmem>> -> memref<1x128xi32, #tpu.memory_space<vmem>>
    %dma_start3A_365 = tpu.memref_squeeze %dma_start3A_364 : memref<1x128xi32, #tpu.memory_space<vmem>> -> memref<128xi32, #tpu.memory_space<vmem>>
    %dma_start3A_366 = arith.constant 0 : i32
    %dma_start3A_367 = arith.constant 0 : i32
    %dma_start3A_368 = tpu.memref_slice %arg3[%dma_start3A_366, %dma_start3A_367] : memref<1000000x64xf32, #tpu.memory_space<hbm>> -> memref<1000000x64xf32, #tpu.memory_space<hbm>>
    %dma_start3A_369 = tpu.memref_slice %arg7[%dma_start3A_358] : memref<4x!tpu.dma_semaphore, #tpu.memory_space<semaphore_mem>> -> memref<1x!tpu.dma_semaphore, #tpu.memory_space<semaphore_mem>>
    %dma_start3A_370 = tpu.memref_squeeze %dma_start3A_369 : memref<1x!tpu.dma_semaphore, #tpu.memory_space<semaphore_mem>> -> memref<!tpu.dma_semaphore, #tpu.memory_space<semaphore_mem>>
    tpu.enqueue_indirect_dma source(%dma_start3A_368 : memref<1000000x64xf32, #tpu.memory_space<hbm>>) target(%dma_start3A_362 : memref<128x64xf32, #tpu.memory_space<vmem>>) offsets(%dma_start3A_365 : memref<128xi32, #tpu.memory_space<vmem>>) semaphore(%dma_start3A_370 : memref<!tpu.dma_semaphore, #tpu.memory_space<semaphore_mem>>)
    %dma_wait3A_371 = arith.constant 1 : i32
    %dma_wait3A_372 = arith.constant 1 : i32
    %dma_wait3A_373 = arith.constant 0 : i32
    %dma_wait3A_374 = arith.constant 0 : i32
    %dma_wait3A_375 = tpu.memref_slice %arg6[%dma_wait3A_371, %dma_wait3A_373, %dma_wait3A_374] : memref<4x128x64xf32, #tpu.memory_space<vmem>> -> memref<1x128x64xf32, #tpu.memory_space<vmem>>
    %dma_wait3A_376 = tpu.memref_squeeze %dma_wait3A_375 : memref<1x128x64xf32, #tpu.memory_space<vmem>> -> memref<128x64xf32, #tpu.memory_space<vmem>>
    %dma_wait3A_377 = arith.constant 0 : i32
    %dma_wait3A_378 = arith.constant 0 : i32
    %dma_wait3A_379 = tpu.memref_slice %arg3[%dma_wait3A_377, %dma_wait3A_378] : memref<1000000x64xf32, #tpu.memory_space<hbm>> -> memref<128x64xf32, #tpu.memory_space<hbm>>
    %dma_wait3A_380 = tpu.memref_slice %arg7[%dma_wait3A_372] : memref<4x!tpu.dma_semaphore, #tpu.memory_space<semaphore_mem>> -> memref<1x!tpu.dma_semaphore, #tpu.memory_space<semaphore_mem>>
    %dma_wait3A_381 = tpu.memref_squeeze %dma_wait3A_380 : memref<1x!tpu.dma_semaphore, #tpu.memory_space<semaphore_mem>> -> memref<!tpu.dma_semaphore, #tpu.memory_space<semaphore_mem>>
    %dma_wait3A_382 = arith.constant 0 : i32
    %dma_wait3A_383 = arith.constant 0 : i32
    %dma_wait3A_384 = tpu.memref_slice %arg6[%dma_wait3A_371, %dma_wait3A_382, %dma_wait3A_383] : memref<4x128x64xf32, #tpu.memory_space<vmem>> -> memref<1x128x64xf32, #tpu.memory_space<vmem>>
    %dma_wait3A_385 = tpu.memref_squeeze %dma_wait3A_384 : memref<1x128x64xf32, #tpu.memory_space<vmem>> -> memref<128x64xf32, #tpu.memory_space<vmem>>
    %dma_wait3A_386 = arith.constant 0 : i32
    %dma_wait3A_387 = arith.constant 0 : i32
    %dma_wait3A_388 = tpu.memref_slice %arg3[%dma_wait3A_386, %dma_wait3A_387] : memref<1000000x64xf32, #tpu.memory_space<hbm>> -> memref<128x64xf32, #tpu.memory_space<hbm>>
    tpu.wait_dma2 semaphore(%dma_wait3A_381 : memref<!tpu.dma_semaphore, #tpu.memory_space<semaphore_mem>>) src(%dma_wait3A_388 : memref<128x64xf32, #tpu.memory_space<hbm>>) dst(%dma_wait3A_385 : memref<128x64xf32, #tpu.memory_space<vmem>>)
    %add3A_389 = arith.constant 25216 : i32
    %add3A_390 = arith.addi %mul3A_2, %add3A_389 : i32
    %dma_start3A_391 = arith.constant 1 : i32
    %dma_start3A_392 = arith.constant 1 : i32
    %dma_start3A_393 = arith.constant 0 : i32
    %dma_start3A_394 = arith.constant 0 : i32
    %dma_start3A_395 = tpu.memref_slice %arg6[%dma_start3A_391, %dma_start3A_393, %dma_start3A_394] : memref<4x128x64xf32, #tpu.memory_space<vmem>> -> memref<1x128x64xf32, #tpu.memory_space<vmem>>
    %dma_start3A_396 = tpu.memref_squeeze %dma_start3A_395 : memref<1x128x64xf32, #tpu.memory_space<vmem>> -> memref<128x64xf32, #tpu.memory_space<vmem>>
    %dma_start3A_397 = arith.constant 0 : i32
    %dma_start3A_398 = tpu.memref_slice %arg4[%add3A_390, %dma_start3A_397] : memref<819200x64xf32, #tpu.memory_space<hbm>> -> memref<128x64xf32, #tpu.memory_space<hbm>>
    %dma_start3A_399 = tpu.memref_slice %arg8[%dma_start3A_392] : memref<4x!tpu.dma_semaphore, #tpu.memory_space<semaphore_mem>> -> memref<1x!tpu.dma_semaphore, #tpu.memory_space<semaphore_mem>>
    %dma_start3A_400 = tpu.memref_squeeze %dma_start3A_399 : memref<1x!tpu.dma_semaphore, #tpu.memory_space<semaphore_mem>> -> memref<!tpu.dma_semaphore, #tpu.memory_space<semaphore_mem>>
    %dma_start3A_401 = arith.constant 0 : i32
    %dma_start3A_402 = tpu.memref_slice %arg4[%add3A_390, %dma_start3A_401] : memref<819200x64xf32, #tpu.memory_space<hbm>> -> memref<128x64xf32, #tpu.memory_space<hbm>>
    %dma_start3A_403 = arith.constant 0 : i32
    %dma_start3A_404 = arith.constant 0 : i32
    %dma_start3A_405 = tpu.memref_slice %arg6[%dma_start3A_391, %dma_start3A_403, %dma_start3A_404] : memref<4x128x64xf32, #tpu.memory_space<vmem>> -> memref<1x128x64xf32, #tpu.memory_space<vmem>>
    %dma_start3A_406 = tpu.memref_squeeze %dma_start3A_405 : memref<1x128x64xf32, #tpu.memory_space<vmem>> -> memref<128x64xf32, #tpu.memory_space<vmem>>
    tpu.enqueue_dma source(%dma_start3A_406 : memref<128x64xf32, #tpu.memory_space<vmem>>) target(%dma_start3A_402 : memref<128x64xf32, #tpu.memory_space<hbm>>) target_semaphore(%dma_start3A_400 : memref<!tpu.dma_semaphore, #tpu.memory_space<semaphore_mem>>)
    %dma_wait3A_407 = arith.constant 2 : i32
    %dma_wait3A_408 = arith.constant 2 : i32
    %dma_wait3A_409 = arith.constant 0 : i32
    %dma_wait3A_410 = arith.constant 0 : i32
    %dma_wait3A_411 = tpu.memref_slice %arg6[%dma_wait3A_407, %dma_wait3A_409, %dma_wait3A_410] : memref<4x128x64xf32, #tpu.memory_space<vmem>> -> memref<1x128x64xf32, #tpu.memory_space<vmem>>
    %dma_wait3A_412 = tpu.memref_squeeze %dma_wait3A_411 : memref<1x128x64xf32, #tpu.memory_space<vmem>> -> memref<128x64xf32, #tpu.memory_space<vmem>>
    %dma_wait3A_413 = arith.constant 0 : i32
    %dma_wait3A_414 = arith.constant 0 : i32
    %dma_wait3A_415 = tpu.memref_slice %arg3[%dma_wait3A_413, %dma_wait3A_414] : memref<1000000x64xf32, #tpu.memory_space<hbm>> -> memref<128x64xf32, #tpu.memory_space<hbm>>
    %dma_wait3A_416 = tpu.memref_slice %arg7[%dma_wait3A_408] : memref<4x!tpu.dma_semaphore, #tpu.memory_space<semaphore_mem>> -> memref<1x!tpu.dma_semaphore, #tpu.memory_space<semaphore_mem>>
    %dma_wait3A_417 = tpu.memref_squeeze %dma_wait3A_416 : memref<1x!tpu.dma_semaphore, #tpu.memory_space<semaphore_mem>> -> memref<!tpu.dma_semaphore, #tpu.memory_space<semaphore_mem>>
    %dma_wait3A_418 = arith.constant 0 : i32
    %dma_wait3A_419 = arith.constant 0 : i32
    %dma_wait3A_420 = tpu.memref_slice %arg6[%dma_wait3A_407, %dma_wait3A_418, %dma_wait3A_419] : memref<4x128x64xf32, #tpu.memory_space<vmem>> -> memref<1x128x64xf32, #tpu.memory_space<vmem>>
    %dma_wait3A_421 = tpu.memref_squeeze %dma_wait3A_420 : memref<1x128x64xf32, #tpu.memory_space<vmem>> -> memref<128x64xf32, #tpu.memory_space<vmem>>
    %dma_wait3A_422 = arith.constant 0 : i32
    %dma_wait3A_423 = arith.constant 0 : i32
    %dma_wait3A_424 = tpu.memref_slice %arg3[%dma_wait3A_422, %dma_wait3A_423] : memref<1000000x64xf32, #tpu.memory_space<hbm>> -> memref<128x64xf32, #tpu.memory_space<hbm>>
    tpu.wait_dma2 semaphore(%dma_wait3A_417 : memref<!tpu.dma_semaphore, #tpu.memory_space<semaphore_mem>>) src(%dma_wait3A_424 : memref<128x64xf32, #tpu.memory_space<hbm>>) dst(%dma_wait3A_421 : memref<128x64xf32, #tpu.memory_space<vmem>>)
    %add3A_425 = arith.constant 25344 : i32
    %add3A_426 = arith.addi %mul3A_2, %add3A_425 : i32
    %dma_start3A_427 = arith.constant 2 : i32
    %dma_start3A_428 = arith.constant 2 : i32
    %dma_start3A_429 = arith.constant 0 : i32
    %dma_start3A_430 = arith.constant 0 : i32
    %dma_start3A_431 = tpu.memref_slice %arg6[%dma_start3A_427, %dma_start3A_429, %dma_start3A_430] : memref<4x128x64xf32, #tpu.memory_space<vmem>> -> memref<1x128x64xf32, #tpu.memory_space<vmem>>
    %dma_start3A_432 = tpu.memref_squeeze %dma_start3A_431 : memref<1x128x64xf32, #tpu.memory_space<vmem>> -> memref<128x64xf32, #tpu.memory_space<vmem>>
    %dma_start3A_433 = arith.constant 0 : i32
    %dma_start3A_434 = tpu.memref_slice %arg4[%add3A_426, %dma_start3A_433] : memref<819200x64xf32, #tpu.memory_space<hbm>> -> memref<128x64xf32, #tpu.memory_space<hbm>>
    %dma_start3A_435 = tpu.memref_slice %arg8[%dma_start3A_428] : memref<4x!tpu.dma_semaphore, #tpu.memory_space<semaphore_mem>> -> memref<1x!tpu.dma_semaphore, #tpu.memory_space<semaphore_mem>>
    %dma_start3A_436 = tpu.memref_squeeze %dma_start3A_435 : memref<1x!tpu.dma_semaphore, #tpu.memory_space<semaphore_mem>> -> memref<!tpu.dma_semaphore, #tpu.memory_space<semaphore_mem>>
    %dma_start3A_437 = arith.constant 0 : i32
    %dma_start3A_438 = tpu.memref_slice %arg4[%add3A_426, %dma_start3A_437] : memref<819200x64xf32, #tpu.memory_space<hbm>> -> memref<128x64xf32, #tpu.memory_space<hbm>>
    %dma_start3A_439 = arith.constant 0 : i32
    %dma_start3A_440 = arith.constant 0 : i32
    %dma_start3A_441 = tpu.memref_slice %arg6[%dma_start3A_427, %dma_start3A_439, %dma_start3A_440] : memref<4x128x64xf32, #tpu.memory_space<vmem>> -> memref<1x128x64xf32, #tpu.memory_space<vmem>>
    %dma_start3A_442 = tpu.memref_squeeze %dma_start3A_441 : memref<1x128x64xf32, #tpu.memory_space<vmem>> -> memref<128x64xf32, #tpu.memory_space<vmem>>
    tpu.enqueue_dma source(%dma_start3A_442 : memref<128x64xf32, #tpu.memory_space<vmem>>) target(%dma_start3A_438 : memref<128x64xf32, #tpu.memory_space<hbm>>) target_semaphore(%dma_start3A_436 : memref<!tpu.dma_semaphore, #tpu.memory_space<semaphore_mem>>)
    %dma_wait3A_443 = arith.constant 3 : i32
    %dma_wait3A_444 = arith.constant 3 : i32
    %dma_wait3A_445 = arith.constant 0 : i32
    %dma_wait3A_446 = arith.constant 0 : i32
    %dma_wait3A_447 = tpu.memref_slice %arg6[%dma_wait3A_443, %dma_wait3A_445, %dma_wait3A_446] : memref<4x128x64xf32, #tpu.memory_space<vmem>> -> memref<1x128x64xf32, #tpu.memory_space<vmem>>
    %dma_wait3A_448 = tpu.memref_squeeze %dma_wait3A_447 : memref<1x128x64xf32, #tpu.memory_space<vmem>> -> memref<128x64xf32, #tpu.memory_space<vmem>>
    %dma_wait3A_449 = arith.constant 0 : i32
    %dma_wait3A_450 = arith.constant 0 : i32
    %dma_wait3A_451 = tpu.memref_slice %arg3[%dma_wait3A_449, %dma_wait3A_450] : memref<1000000x64xf32, #tpu.memory_space<hbm>> -> memref<128x64xf32, #tpu.memory_space<hbm>>
    %dma_wait3A_452 = tpu.memref_slice %arg7[%dma_wait3A_444] : memref<4x!tpu.dma_semaphore, #tpu.memory_space<semaphore_mem>> -> memref<1x!tpu.dma_semaphore, #tpu.memory_space<semaphore_mem>>
    %dma_wait3A_453 = tpu.memref_squeeze %dma_wait3A_452 : memref<1x!tpu.dma_semaphore, #tpu.memory_space<semaphore_mem>> -> memref<!tpu.dma_semaphore, #tpu.memory_space<semaphore_mem>>
    %dma_wait3A_454 = arith.constant 0 : i32
    %dma_wait3A_455 = arith.constant 0 : i32
    %dma_wait3A_456 = tpu.memref_slice %arg6[%dma_wait3A_443, %dma_wait3A_454, %dma_wait3A_455] : memref<4x128x64xf32, #tpu.memory_space<vmem>> -> memref<1x128x64xf32, #tpu.memory_space<vmem>>
    %dma_wait3A_457 = tpu.memref_squeeze %dma_wait3A_456 : memref<1x128x64xf32, #tpu.memory_space<vmem>> -> memref<128x64xf32, #tpu.memory_space<vmem>>
    %dma_wait3A_458 = arith.constant 0 : i32
    %dma_wait3A_459 = arith.constant 0 : i32
    %dma_wait3A_460 = tpu.memref_slice %arg3[%dma_wait3A_458, %dma_wait3A_459] : memref<1000000x64xf32, #tpu.memory_space<hbm>> -> memref<128x64xf32, #tpu.memory_space<hbm>>
    tpu.wait_dma2 semaphore(%dma_wait3A_453 : memref<!tpu.dma_semaphore, #tpu.memory_space<semaphore_mem>>) src(%dma_wait3A_460 : memref<128x64xf32, #tpu.memory_space<hbm>>) dst(%dma_wait3A_457 : memref<128x64xf32, #tpu.memory_space<vmem>>)
    %add3A_461 = arith.constant 25472 : i32
    %add3A_462 = arith.addi %mul3A_2, %add3A_461 : i32
    %dma_start3A_463 = arith.constant 3 : i32
    %dma_start3A_464 = arith.constant 3 : i32
    %dma_start3A_465 = arith.constant 0 : i32
    %dma_start3A_466 = arith.constant 0 : i32
    %dma_start3A_467 = tpu.memref_slice %arg6[%dma_start3A_463, %dma_start3A_465, %dma_start3A_466] : memref<4x128x64xf32, #tpu.memory_space<vmem>> -> memref<1x128x64xf32, #tpu.memory_space<vmem>>
    %dma_start3A_468 = tpu.memref_squeeze %dma_start3A_467 : memref<1x128x64xf32, #tpu.memory_space<vmem>> -> memref<128x64xf32, #tpu.memory_space<vmem>>
    %dma_start3A_469 = arith.constant 0 : i32
    %dma_start3A_470 = tpu.memref_slice %arg4[%add3A_462, %dma_start3A_469] : memref<819200x64xf32, #tpu.memory_space<hbm>> -> memref<128x64xf32, #tpu.memory_space<hbm>>
    %dma_start3A_471 = tpu.memref_slice %arg8[%dma_start3A_464] : memref<4x!tpu.dma_semaphore, #tpu.memory_space<semaphore_mem>> -> memref<1x!tpu.dma_semaphore, #tpu.memory_space<semaphore_mem>>
    %dma_start3A_472 = tpu.memref_squeeze %dma_start3A_471 : memref<1x!tpu.dma_semaphore, #tpu.memory_space<semaphore_mem>> -> memref<!tpu.dma_semaphore, #tpu.memory_space<semaphore_mem>>
    %dma_start3A_473 = arith.constant 0 : i32
    %dma_start3A_474 = tpu.memref_slice %arg4[%add3A_462, %dma_start3A_473] : memref<819200x64xf32, #tpu.memory_space<hbm>> -> memref<128x64xf32, #tpu.memory_space<hbm>>
    %dma_start3A_475 = arith.constant 0 : i32
    %dma_start3A_476 = arith.constant 0 : i32
    %dma_start3A_477 = tpu.memref_slice %arg6[%dma_start3A_463, %dma_start3A_475, %dma_start3A_476] : memref<4x128x64xf32, #tpu.memory_space<vmem>> -> memref<1x128x64xf32, #tpu.memory_space<vmem>>
    %dma_start3A_478 = tpu.memref_squeeze %dma_start3A_477 : memref<1x128x64xf32, #tpu.memory_space<vmem>> -> memref<128x64xf32, #tpu.memory_space<vmem>>
    tpu.enqueue_dma source(%dma_start3A_478 : memref<128x64xf32, #tpu.memory_space<vmem>>) target(%dma_start3A_474 : memref<128x64xf32, #tpu.memory_space<hbm>>) target_semaphore(%dma_start3A_472 : memref<!tpu.dma_semaphore, #tpu.memory_space<semaphore_mem>>)
    %dma_wait3A_479 = arith.constant 0 : i32
    %dma_wait3A_480 = arith.constant 0 : i32
    %dma_wait3A_481 = arith.constant 0 : i32
    %dma_wait3A_482 = arith.constant 0 : i32
    %dma_wait3A_483 = tpu.memref_slice %arg6[%dma_wait3A_479, %dma_wait3A_481, %dma_wait3A_482] : memref<4x128x64xf32, #tpu.memory_space<vmem>> -> memref<1x128x64xf32, #tpu.memory_space<vmem>>
    %dma_wait3A_484 = tpu.memref_squeeze %dma_wait3A_483 : memref<1x128x64xf32, #tpu.memory_space<vmem>> -> memref<128x64xf32, #tpu.memory_space<vmem>>
    %dma_wait3A_485 = arith.constant 0 : i32
    %dma_wait3A_486 = tpu.memref_slice %arg4[%mul3A_2, %dma_wait3A_485] : memref<819200x64xf32, #tpu.memory_space<hbm>> -> memref<128x64xf32, #tpu.memory_space<hbm>>
    %dma_wait3A_487 = tpu.memref_slice %arg8[%dma_wait3A_480] : memref<4x!tpu.dma_semaphore, #tpu.memory_space<semaphore_mem>> -> memref<1x!tpu.dma_semaphore, #tpu.memory_space<semaphore_mem>>
    %dma_wait3A_488 = tpu.memref_squeeze %dma_wait3A_487 : memref<1x!tpu.dma_semaphore, #tpu.memory_space<semaphore_mem>> -> memref<!tpu.dma_semaphore, #tpu.memory_space<semaphore_mem>>
    %dma_wait3A_489 = arith.constant 0 : i32
    %dma_wait3A_490 = tpu.memref_slice %arg4[%mul3A_2, %dma_wait3A_489] : memref<819200x64xf32, #tpu.memory_space<hbm>> -> memref<128x64xf32, #tpu.memory_space<hbm>>
    %dma_wait3A_491 = arith.constant 0 : i32
    %dma_wait3A_492 = arith.constant 0 : i32
    %dma_wait3A_493 = tpu.memref_slice %arg6[%dma_wait3A_479, %dma_wait3A_491, %dma_wait3A_492] : memref<4x128x64xf32, #tpu.memory_space<vmem>> -> memref<1x128x64xf32, #tpu.memory_space<vmem>>
    %dma_wait3A_494 = tpu.memref_squeeze %dma_wait3A_493 : memref<1x128x64xf32, #tpu.memory_space<vmem>> -> memref<128x64xf32, #tpu.memory_space<vmem>>
    tpu.wait_dma2 semaphore(%dma_wait3A_488 : memref<!tpu.dma_semaphore, #tpu.memory_space<semaphore_mem>>) src(%dma_wait3A_494 : memref<128x64xf32, #tpu.memory_space<vmem>>) dst(%dma_wait3A_490 : memref<128x64xf32, #tpu.memory_space<hbm>>)
    %dma_wait3A_495 = arith.constant 1 : i32
    %dma_wait3A_496 = arith.constant 1 : i32
    %dma_wait3A_497 = arith.constant 0 : i32
    %dma_wait3A_498 = arith.constant 0 : i32
    %dma_wait3A_499 = tpu.memref_slice %arg6[%dma_wait3A_495, %dma_wait3A_497, %dma_wait3A_498] : memref<4x128x64xf32, #tpu.memory_space<vmem>> -> memref<1x128x64xf32, #tpu.memory_space<vmem>>
    %dma_wait3A_500 = tpu.memref_squeeze %dma_wait3A_499 : memref<1x128x64xf32, #tpu.memory_space<vmem>> -> memref<128x64xf32, #tpu.memory_space<vmem>>
    %dma_wait3A_501 = arith.constant 0 : i32
    %dma_wait3A_502 = tpu.memref_slice %arg4[%mul3A_2, %dma_wait3A_501] : memref<819200x64xf32, #tpu.memory_space<hbm>> -> memref<128x64xf32, #tpu.memory_space<hbm>>
    %dma_wait3A_503 = tpu.memref_slice %arg8[%dma_wait3A_496] : memref<4x!tpu.dma_semaphore, #tpu.memory_space<semaphore_mem>> -> memref<1x!tpu.dma_semaphore, #tpu.memory_space<semaphore_mem>>
    %dma_wait3A_504 = tpu.memref_squeeze %dma_wait3A_503 : memref<1x!tpu.dma_semaphore, #tpu.memory_space<semaphore_mem>> -> memref<!tpu.dma_semaphore, #tpu.memory_space<semaphore_mem>>
    %dma_wait3A_505 = arith.constant 0 : i32
    %dma_wait3A_506 = tpu.memref_slice %arg4[%mul3A_2, %dma_wait3A_505] : memref<819200x64xf32, #tpu.memory_space<hbm>> -> memref<128x64xf32, #tpu.memory_space<hbm>>
    %dma_wait3A_507 = arith.constant 0 : i32
    %dma_wait3A_508 = arith.constant 0 : i32
    %dma_wait3A_509 = tpu.memref_slice %arg6[%dma_wait3A_495, %dma_wait3A_507, %dma_wait3A_508] : memref<4x128x64xf32, #tpu.memory_space<vmem>> -> memref<1x128x64xf32, #tpu.memory_space<vmem>>
    %dma_wait3A_510 = tpu.memref_squeeze %dma_wait3A_509 : memref<1x128x64xf32, #tpu.memory_space<vmem>> -> memref<128x64xf32, #tpu.memory_space<vmem>>
    tpu.wait_dma2 semaphore(%dma_wait3A_504 : memref<!tpu.dma_semaphore, #tpu.memory_space<semaphore_mem>>) src(%dma_wait3A_510 : memref<128x64xf32, #tpu.memory_space<vmem>>) dst(%dma_wait3A_506 : memref<128x64xf32, #tpu.memory_space<hbm>>)
    %dma_wait3A_511 = arith.constant 2 : i32
    %dma_wait3A_512 = arith.constant 2 : i32
    %dma_wait3A_513 = arith.constant 0 : i32
    %dma_wait3A_514 = arith.constant 0 : i32
    %dma_wait3A_515 = tpu.memref_slice %arg6[%dma_wait3A_511, %dma_wait3A_513, %dma_wait3A_514] : memref<4x128x64xf32, #tpu.memory_space<vmem>> -> memref<1x128x64xf32, #tpu.memory_space<vmem>>
    %dma_wait3A_516 = tpu.memref_squeeze %dma_wait3A_515 : memref<1x128x64xf32, #tpu.memory_space<vmem>> -> memref<128x64xf32, #tpu.memory_space<vmem>>
    %dma_wait3A_517 = arith.constant 0 : i32
    %dma_wait3A_518 = tpu.memref_slice %arg4[%mul3A_2, %dma_wait3A_517] : memref<819200x64xf32, #tpu.memory_space<hbm>> -> memref<128x64xf32, #tpu.memory_space<hbm>>
    %dma_wait3A_519 = tpu.memref_slice %arg8[%dma_wait3A_512] : memref<4x!tpu.dma_semaphore, #tpu.memory_space<semaphore_mem>> -> memref<1x!tpu.dma_semaphore, #tpu.memory_space<semaphore_mem>>
    %dma_wait3A_520 = tpu.memref_squeeze %dma_wait3A_519 : memref<1x!tpu.dma_semaphore, #tpu.memory_space<semaphore_mem>> -> memref<!tpu.dma_semaphore, #tpu.memory_space<semaphore_mem>>
    %dma_wait3A_521 = arith.constant 0 : i32
    %dma_wait3A_522 = tpu.memref_slice %arg4[%mul3A_2, %dma_wait3A_521] : memref<819200x64xf32, #tpu.memory_space<hbm>> -> memref<128x64xf32, #tpu.memory_space<hbm>>
    %dma_wait3A_523 = arith.constant 0 : i32
    %dma_wait3A_524 = arith.constant 0 : i32
    %dma_wait3A_525 = tpu.memref_slice %arg6[%dma_wait3A_511, %dma_wait3A_523, %dma_wait3A_524] : memref<4x128x64xf32, #tpu.memory_space<vmem>> -> memref<1x128x64xf32, #tpu.memory_space<vmem>>
    %dma_wait3A_526 = tpu.memref_squeeze %dma_wait3A_525 : memref<1x128x64xf32, #tpu.memory_space<vmem>> -> memref<128x64xf32, #tpu.memory_space<vmem>>
    tpu.wait_dma2 semaphore(%dma_wait3A_520 : memref<!tpu.dma_semaphore, #tpu.memory_space<semaphore_mem>>) src(%dma_wait3A_526 : memref<128x64xf32, #tpu.memory_space<vmem>>) dst(%dma_wait3A_522 : memref<128x64xf32, #tpu.memory_space<hbm>>)
    %dma_wait3A_527 = arith.constant 3 : i32
    %dma_wait3A_528 = arith.constant 3 : i32
    %dma_wait3A_529 = arith.constant 0 : i32
    %dma_wait3A_530 = arith.constant 0 : i32
    %dma_wait3A_531 = tpu.memref_slice %arg6[%dma_wait3A_527, %dma_wait3A_529, %dma_wait3A_530] : memref<4x128x64xf32, #tpu.memory_space<vmem>> -> memref<1x128x64xf32, #tpu.memory_space<vmem>>
    %dma_wait3A_532 = tpu.memref_squeeze %dma_wait3A_531 : memref<1x128x64xf32, #tpu.memory_space<vmem>> -> memref<128x64xf32, #tpu.memory_space<vmem>>
    %dma_wait3A_533 = arith.constant 0 : i32
    %dma_wait3A_534 = tpu.memref_slice %arg4[%mul3A_2, %dma_wait3A_533] : memref<819200x64xf32, #tpu.memory_space<hbm>> -> memref<128x64xf32, #tpu.memory_space<hbm>>
    %dma_wait3A_535 = tpu.memref_slice %arg8[%dma_wait3A_528] : memref<4x!tpu.dma_semaphore, #tpu.memory_space<semaphore_mem>> -> memref<1x!tpu.dma_semaphore, #tpu.memory_space<semaphore_mem>>
    %dma_wait3A_536 = tpu.memref_squeeze %dma_wait3A_535 : memref<1x!tpu.dma_semaphore, #tpu.memory_space<semaphore_mem>> -> memref<!tpu.dma_semaphore, #tpu.memory_space<semaphore_mem>>
    %dma_wait3A_537 = arith.constant 0 : i32
    %dma_wait3A_538 = tpu.memref_slice %arg4[%mul3A_2, %dma_wait3A_537] : memref<819200x64xf32, #tpu.memory_space<hbm>> -> memref<128x64xf32, #tpu.memory_space<hbm>>
    %dma_wait3A_539 = arith.constant 0 : i32
    %dma_wait3A_540 = arith.constant 0 : i32
    %dma_wait3A_541 = tpu.memref_slice %arg6[%dma_wait3A_527, %dma_wait3A_539, %dma_wait3A_540] : memref<4x128x64xf32, #tpu.memory_space<vmem>> -> memref<1x128x64xf32, #tpu.memory_space<vmem>>
    %dma_wait3A_542 = tpu.memref_squeeze %dma_wait3A_541 : memref<1x128x64xf32, #tpu.memory_space<vmem>> -> memref<128x64xf32, #tpu.memory_space<vmem>>
    tpu.wait_dma2 semaphore(%dma_wait3A_536 : memref<!tpu.dma_semaphore, #tpu.memory_space<semaphore_mem>>) src(%dma_wait3A_542 : memref<128x64xf32, #tpu.memory_space<vmem>>) dst(%dma_wait3A_538 : memref<128x64xf32, #tpu.memory_space<hbm>>)
    return
  }
}

</mosaic_0001>

<sc_bundles>
// kernel: kernel.3.cloned.1.call-start
scs
__scs_entry_jumppad:
0x0: {  	(pc) =	sbr.rel $0x88, $3  }
0x1: {  	(tag) =	ssettag $0x0;
	lr =	simm.s32 $0x1  }
0x2: {  	[smem:$0x3F9F] =	sst lr;
	_ =	strace $0xD0000000  }
0x3: {  	_ = 	snop  }
0x4: {  	_ = 	snop  }
0x5: {  	_ = 	snop  }
0x6: {  	_ = 	snop  }
0x7: {  	_ = 	snop  }
__scs_overlays_trampoline_lowered:
0x8: {  	[smem:$0x3FAE] =	sst s0  }
0x9: {  	[smem:$0x3FAF] =	sst s1  }
0xa: {  	[smem:$0x3FB0] =	sst s2  }
0xb: {  	[smem:$0x3FB1] =	sst s3  }
0xc: {  	[smem:$0x3FB2] =	sst s4  }
0xd: {  	[smem:$0x3FB3] =	sst s5  }
0xe: {  	[smem:$0x3FB4] =	sst s6  }
0xf: {  	[smem:$0x3FB5] =	sst s7  }
0x10: {  	[smem:$0x3FB6] =	sst s8  }
0x11: {  	[smem:$0x3FB7] =	sst s9;
	s0 =	simm.s32 @!p0 $0x0  }
0x12: {  	s1 =	sld [smem:$0x3F9D];
	s0 =	simm.s32 @p0 $0x1  }
0x13: {  	[smem:$0x3FB8] =	sst s0;
	s0 =	simm.s32 @!p1 $0x0  }
0x14: {  	s2 =	sld [smem:$0x3F9C];
	s0 =	simm.s32 @p1 $0x1  }
0x15: {  	[smem:$0x3FB9] =	sst s0;
	s0 =	simm.s32 @!p2 $0x0  }
0x16: {  	s3 =	sld [smem:$0x3FDB];
	s0 =	simm.s32 @p2 $0x1  }
0x17: {  	s4 =	simm.s32 $0x1BF5;
	[smem:$0x3FBB] =	sst s0  }
0x18: {  	s0 =	sld [smem:$0x3F9E];
	_ =	swait.ge [sflag:s4], $0x0  }
0x19: {  	s7 =	sld [smem:$0x3F9F]  }
0x1a: {  	s8 =	sadd.s32 $0xFFFFE003, lr  }
0x1b: {  	s9 =	sadd.s32 $0xFFFFFEF7, lr;
	s5 =	simm.s32 $0xFFFFFFFF;
	p2 =	slt.u32 s8, $0xFFFFF086  }
0x1c: {  	p1 =	slt.u32 s9, $0xF7A;
	s5 =	simm.s32 @!p2 $0x0  }
0x1d: {  	s5 =	simm.s32 @p1 $0x1;
	p0 =	seq.s32 s7, s2  }
0x1e: {  	s7 =	smul.u32 @!p0 $0xF7A, s2;
	p2 =	seq.s32 @!p0 s5, $0x0  }
0x1f: {  	s9 =	smul.u32 $0xF7A, s1;
	s8 =	simm.s32 @!p0 $0x1BF5;
	p2 =	por !p2, p0  }
0x20: {  	[sflag:s8] =	ssyncset.s32 @!p0 $0xFFFFF086;
	s6 =	sadd.s32 @!p0 s3, s7;
	s7 =	simm.s32 @!p0 $0x108  }
0x21: {  	s3 =	sadd.s32 s3, s9;
	s6 =	sadd.s32 @!p0 $0x88, s6;
	s7 =	simm.s32 @p2 $0x1082  }
0x22: {  	[simem:s7], [sflag:s8] =	dma.local @!p0 [hbm:s6], $0xF7A  }
0x23: {  	s9 =	sor.u32 $0xD0000000, s2;
	s6 =	simm.s32 $0x108;
	_ =	swait.ge @!p0 [sflag:s8], $0x0  }
0x24: {  	s3 =	sadd.s32 $0x88, s3;
	s6 =	simm.s32 @!p1 $0x1082;
	[sflag:s4] =	ssyncset.s32 $0xFFFFF086  }
0x25: {  	[simem:s6], [sflag:s4] =	dma.local [hbm:s3], $0xF7A  }
0x26: {  	[smem:$0x3F9F] =	sst s1;
	(tag) =	ssettag s2;
	_ =	strace s9  }
0x27: {  	s1 =	sld [smem:$0x3FAF]  }
0x28: {  	s2 =	sld [smem:$0x3FB0]  }
0x29: {  	s4 =	sld [smem:$0x3FB2]  }
0x2a: {  	p0 =	seq.s32 s5, $0x0;
	s5 =	sld [smem:$0x3FB3]  }
0x2b: {  	s6 =	sld [smem:$0x3FB4]  }
0x2c: {  	s7 =	sld [smem:$0x3FB5]  }
0x2d: {  	s3 =	simm.s32 $0x108;
	s8 =	sld [smem:$0x3FB6]  }
0x2e: {  	s3 =	simm.s32 @!p0 $0x1082;
	s9 =	sld [smem:$0x3FB7]  }
0x2f: {  	lr =	sadd.s32 s0, s3;
	s0 =	sld [smem:$0x3FAE]  }
0x30: {  	s3 =	sld [smem:$0x3FB1]  }
0x31: {  	[smem:$0x3FBA] =	sst s10  }
0x32: {  	s10 =	sld [smem:$0x3FB8];
	_ =	sdelay $0x3  }
0x33: {  	p0 =	seq.s32 s10, $0x1;
	s10 =	sld [smem:$0x3FBA];
	_ =	sdelay $0x3  }
0x34: {  	[smem:$0x3FBA] =	sst s10  }
0x35: {  	s10 =	sld [smem:$0x3FB9];
	_ =	sdelay $0x3  }
0x36: {  	p1 =	seq.s32 s10, $0x1;
	s10 =	sld [smem:$0x3FBA];
	_ =	sdelay $0x3  }
0x37: {  	[smem:$0x3FBA] =	sst s10  }
0x38: {  	s10 =	sld [smem:$0x3FBB]  }
0x39: {  	_ = 	snop;
	(pc) =	sbr.ind lr, $3  }
0x3a: {  	_ = 	snop  }
0x3b: {  	_ = 	snop  }
0x3c: {  	p2 =	seq.s32 s10, $0x1;
	s10 =	sld [smem:$0x3FBA]  }
0x3d: {  	_ =	shalt  }
0x3e: {  	_ =	shalt  }
0x3f: {  	_ =	shalt  }
0x40: {  	_ =	shalt  }
0x41: {  	_ =	shalt  }
0x42: {  	_ =	shalt  }
0x43: {  	_ =	shalt  }
0x44: {  	_ =	shalt  }
0x45: {  	_ =	shalt  }
0x46: {  	_ =	shalt  }
0x47: {  	_ =	shalt  }
0x48: {  	_ =	shalt  }
0x49: {  	_ =	shalt  }
0x4a: {  	_ =	shalt  }
0x4b: {  	_ =	shalt  }
0x4c: {  	_ =	shalt  }
0x4d: {  	_ =	shalt  }
0x4e: {  	_ =	shalt  }
0x4f: {  	_ =	shalt  }
0x50: {  	_ =	shalt  }
0x51: {  	_ =	shalt  }
0x52: {  	_ =	shalt  }
0x53: {  	_ =	shalt  }
0x54: {  	_ =	shalt  }
0x55: {  	_ =	shalt  }
0x56: {  	_ =	shalt  }
0x57: {  	_ =	shalt  }
0x58: {  	_ =	shalt  }
0x59: {  	_ =	shalt  }
0x5a: {  	_ =	shalt  }
0x5b: {  	_ =	shalt  }
0x5c: {  	_ =	shalt  }
0x5d: {  	_ =	shalt  }
0x5e: {  	_ =	shalt  }
0x5f: {  	_ =	shalt  }
0x60: {  	_ =	shalt  }
0x61: {  	_ =	shalt  }
0x62: {  	_ =	shalt  }
0x63: {  	_ =	shalt  }
0x64: {  	_ =	shalt  }
0x65: {  	_ =	shalt  }
0x66: {  	_ =	shalt  }
0x67: {  	_ =	shalt  }
0x68: {  	_ =	shalt  }
0x69: {  	_ =	shalt  }
0x6a: {  	_ =	shalt  }
0x6b: {  	_ =	shalt  }
0x6c: {  	_ =	shalt  }
0x6d: {  	_ =	shalt  }
0x6e: {  	_ =	shalt  }
0x6f: {  	_ =	shalt  }
0x70: {  	_ =	shalt  }
0x71: {  	_ =	shalt  }
0x72: {  	_ =	shalt  }
0x73: {  	_ =	shalt  }
0x74: {  	_ =	shalt  }
0x75: {  	_ =	shalt  }
0x76: {  	_ =	shalt  }
0x77: {  	_ =	shalt  }
0x78: {  	_ =	shalt  }
0x79: {  	_ =	shalt  }
0x7a: {  	_ =	shalt  }
0x7b: {  	_ =	shalt  }
0x7c: {  	_ =	shalt  }
0x7d: {  	_ =	shalt  }
0x7e: {  	_ =	shalt  }
0x7f: {  	_ =	shalt  }
0x80: {  	_ =	shalt  }
0x81: {  	_ =	shalt  }
0x82: {  	_ =	shalt  }
0x83: {  	_ =	shalt  }
0x84: {  	_ =	shalt  }
0x85: {  	_ =	shalt  }
0x86: {  	_ =	shalt  }
0x87: {  	_ =	shalt  }
.Lfunc_end0:
.L_simem_size_0:
called_computation.1_lowered:
.L_overlay_start_0:
0x88: {  	s2 =	sld [smem:$0x3FD9]  }
0x89: {  	s3 =	sld [smem:$0x3FFE];
	_ =	sdelay $0x1  }
0x8a: {  	s1 =	srdreg.scid  }
0x8b: {  	s0 =	sand.u32 $0x1, s1  }
0x8c: {  	s17 =	sshll.u32 s0, $0xA;
	s2 =	sadd.s32 s3, s2  }
0x8d: {  	s2 =	sadd.s32 s2, s17  }
0x8e: {  	[smem:$0x3FC6] =	sst s2  }
0x8f: {  	_ = 	snop  }
0x90: {  	s2 =	sld [smem:$0x3FD0];
	(tm) =	ssettm $0x1  }
0x91: {  	s18 =	sld [smem:$0x3FFB];
	_ =	sdelay $0x3  }
0x92: {  	_ =	strace s18  }
0x93: {  	s3 =	sld [smem:$0x3FFC];
	_ =	sdelay $0x3  }
0x94: {  	_ =	strace s3  }
0x95: {  	s3 =	sld [smem:$0x3FFD];
	_ =	sdelay $0x3  }
0x96: {  	_ =	strace s3  }
0x97: {  	_ =	strace $0x8FFFFFFF  }
0x98: {  	s19 =	sld [smem:$0x3FDB];
	_ =	sdelay $0x1  }
0x99: {  	s4 =	simm.s32 $_scs_section_size  }
0x9a: {  	s5 =	simm.s32 $_size__tile_overlayer_lowered;
	s6 =	simm.s32 $_tile_overlayer_lowered  }
0x9b: {  	s22 =	simm.s32 $0x1BFF;
	s21 =	sshll.u32 s6, $0x1;
	s3 =	sadd.s32 s4, s19  }
0x9c: {  	s7 =	simm.s32 $0x0;
	s20 =	sshll.u32 s5, $0x1;
	s5 =	sadd.s32 s21, s3  }
0x9d: {  	[timem:s7], [sflag:s22] =	dma.local [hbm:s5], s20  }
0x9e: {  	_ =	swait.ge [sflag:s22], s20  }
0x9f: {  	s4 =	ssub.s32 $0x0, s20;
	[sflag:s22] =	ssyncset.done $0x0  }
0xa0: {  	[sflag:s22] =	ssyncadd.s32 s4;
	_ =	sdelay $0x1  }
0xa1: {  	s23 =	simm.s32 $0x1B8B  }
0xa2: {  	_ =	swait.ge [sflag:s23], $0x1  }
0xa3: {  	[sflag:s23] =	ssyncset.done $0x0  }
0xa4: {  	s25 =	simm.s32 $0x1B8E;
	s24 =	sld [smem:$0x3FFE];
	[sflag:s23] =	ssyncadd.s32 $0xFFFFFFFF  }
0xa5: {  	s26 =	simm.s32 $execute0_lowered;
	[smem:$0x3FD2] =	sst s25  }
0xa6: {  	s5 =	sshll.u32 s26, $0x1;
	_ =	strace $0x80000046;
	[dreg:$0x1] =	wrdreg $0xFFFFFFFF  }
0xa7: {  	s28 =	simm.s32 $_size_execute0_lowered;
	s3 =	sadd.s32 s3, s5;
	[dreg:$0x0] =	wrdreg $0x0  }
0xa8: {  	s5 =	sshll.u32 s28, $0x1;
	[dreg:$0x2] =	wrdreg s3  }
0xa9: {  	[dreg:$0x3] =	wrdreg s5  }
0xaa: {  	[dreg:$0x4] =	wrdreg $0xC0  }
0xab: {  	_ =	task [dreg:s7], $0x5FFFF  }
0xac: {  	[dreg:$0x1] =	wrdreg $0xFFFFFFFF  }
0xad: {  	[dreg:$0x0] =	wrdreg $0x60  }
0xae: {  	[dreg:$0x2] =	wrdreg s24  }
0xaf: {  	[dreg:$0x3] =	wrdreg s2  }
0xb0: {  	[dreg:$0x4] =	wrdreg $0x9  }
0xb1: {  	_ =	task.clear_ibuf [dreg:s7], $0x5FFFF;
	_ =	strace $0x90000046  }
0xb2: {  	s29 =	simm.s32 $0x9;
	_ =	strace $0x80000048  }
0xb3: {  	_ =	swait.ge [sflag:s29], $0x1  }
0xb4: {  	[sflag:s29] =	ssyncadd.s32 $0xFFFFFFFF  }
0xb5: {  	_ =	strace $0x90000048  }
0xb6: {  	_ =	sfence  }
0xb7: {  	s30 =	sld [smem:$0x0];
	_ =	sdelay $0x2  }
0xb8: {  	s31 =	sshll.u32 s1, $0xD;
	s1 =	sshrl.u32 s1, $0x2  }
0xb9: {  	s3 =	sand.u32 $0x4000, s31;
	s1 =	sadd.s32 s1, s30  }
0xba: {  	s0 =	sor.u32 s3, s0;
	s1 =	sshll.u32 s1, $0x11  }
0xbb: {  	s0 =	sor.u32 s1, s0  }
0xbc: {  	s0 =	sadd.s32 $0x8F2B, s0  }
0xbd: {  	[sflag:s0] =	ssyncadd.remote.s32 $0x1  }
0xbe: {  	_ =	sfence.sel $0xFFFF  }
0xbf: {  	[dreg:$0x0] =	wrdreg $0xFFFFFFFF;
	(pc) =	sbr.abs _section_cstart, $3  }
0xc0: {  	[dreg:$0x1] =	wrdreg $0xFFFFFFFF  }
0xc1: {  	_ =	task.clear_ibuf [dreg:s7], $0x2FFFF;
	_ =	strace $0x9FFFFFFF  }
0xc2: {  	(tm) =	ssettm $0x7FFFFFFF  }
0xc3: {  	_ =	shalt  }
tec
execute0_lowered:
.L_overlay_start_1:
0x0: {  	(tag) =	ssettag $0x1  }
0x1: {  	s0 =	srdreg.scid;
	s1 =	rddreg [dreg:$0x0]  }
0x2: {  	s10 =	stileid.u32;
	s5 =	rddreg [dreg:$0x1]  }
0x3: {  	s18 =	simm.s32 $0x9;
	s19 =	simm.s32 $0x80;
	s23 =	smul.u32 $0x320000, s10  }
0x4: {  	s20 =	simm.s32 $0x6400;
	s0 =	sand.u32 $0x1, s0;
	s12 =	smul.u32 $0xC800, s10  }
0x5: {  	s21 =	simm.s32 $0x8400;
	s2 =	sshll.u32 s10, $0x1;
	s25 =	smul.u32 $0x190000, s0  }
0x6: {  	s4 =	sor.u32 s0, s2;
	s7 =	ssub.s32 $0x2, s0;
	s0 =	smul.u32 $0x6400, s0  }
0x7: {  	s28 =	simm.s32 $0x2;
	s29 =	simm.s32 $0x5;
	s3 =	smul.u32 $0x6400, s4  }
0x8: {  	s31 =	simm.s32 $0x3;
	s2 =	simm.s32 $0x0;
	s8 =	smul.u32 $0x32000, s4  }
0x9: {  	s30 =	simm.s32 $0x8;
	[smem:$0x7FF] =	sst s2;
	s9 =	smul.u32 $0x190000, s4  }
0xa: {  	s22 =	sshrl.u32 s7, $0x1;
	_ =	strace $0x80000047;
	s0 =	sadd.s32 s0, s12  }
0xb: {  	s3 =	sshrl.u32 s3, $0x3;
	s4 =	sadd.s32 s5, s8;
	s9 =	sshrl.u32 s9, $0x3  }
0xc: {  	s0 =	sshll.u32 s0, $0x3;
	s6 =	sadd.s32 s3, s1;
	s3 =	sadd.s32 $0xF42E00, s1  }
0xd: {  	s1 =	ssub.s32 s7, s22;
	s24 =	sadd.s32 $0x400, s4;
	s8 =	sadd.s32 $0x800, s4  }
0xe: {  	s26 =	sadd.s32 $0xC00, s4;
	s13 =	sadd.s32 s5, s9;
	[dreg:$0x4] =	wrdreg s24  }
0xf: {  	s0 =	sadd.s32 s0, s5;
	s22 =	simm.s32 $0x4;
	[dreg:$0x5] =	wrdreg s8  }
0x10: {  	s6 =	sadd.s32 $0xA00, s6;
	[dreg:$0x6] =	wrdreg s26;
	s9 =	sadd.s32 $0x31000, s13  }
0x11: {  	s10 =	sadd.s32 $0x31400, s13;
	s11 =	sadd.s32 $0x31800, s13;
	s12 =	sadd.s32 $0x31C00, s13  }
0x12: {  	s13 =	smax.u32 s1, $0x1;
	s15 =	sadd.s32 $0x1400, s0;
	s16 =	sadd.s32 $0x1C00, s0  }
0x13: {  	s17 =	sadd.s32 $0x1800, s0;
	[dreg:$0x3] =	wrdreg s6;
	s6 =	sadd.s32 s25, s23  }
0x14: {  	s24 =	simm.s32 $0x1;
	s26 =	simm.s32 $0xC400;
	s6 =	sor.u32 $0x8000, s6  }
0x15: {  	s1 =	simm.s32 $0x6;
	s0 =	simm.s32 $0x0;
	s6 =	sshrl.u32 s6, $0x3  }
0x16: {  	s23 =	simm.s32 $0xA400;
	s25 =	simm.s32 $0x7;
	s14 =	sadd.s32 s6, s5  }
.LBB2_1:
0x17: {  	s5 =	rddreg [dreg:$0x3]  }
0x18: {  	[tilespmem:s2], [sflag:$0x9] =	stream.linear.gather [hbm4b:s5+s2], $0x6400, $0x38;
	[tilespmem:$0xE400] =	vst v63  }
0x19: {  	_ =	swait.ge [sflag:s18], $0x6400  }
0x1a: {  	[sflag:s18] =	ssyncset.done $0x0  }
0x1b: {  	[sflag:s18] =	ssyncadd.s32 $0xFFFF9C00  }
0x1c: {  	[tilespmem:s20], [sflag:$0x1] =	stream.indirect.gather [hbm4b:s3+s19], $0x40, s2, s19, $0xb8;
	[tilespmem:$0xE400] =	vst v63  }
0x1d: {  	_ = 	snop  }
0x1e: {  	[tilespmem:s21], [sflag:$0x2] =	stream.indirect.gather [hbm4b:s3+s19], $0x40, s19, s19, $0xb8;
	[tilespmem:$0xE400] =	vst v63  }
0x1f: {  	s7 =	simm.s32 $0x100  }
0x20: {  	[tilespmem:s23], [sflag:$0x3] =	stream.indirect.gather [hbm4b:s3+s19], $0x40, s7, s19, $0xb8;
	[tilespmem:$0xE400] =	vst v63  }
0x21: {  	_ =	swait.ge [sflag:s24], $0x2000  }
0x22: {  	[sflag:s24] =	ssyncset.done $0x0  }
0x23: {  	[sflag:s24] =	ssyncadd.s32 $0xFFFFE000  }
0x24: {  	[hbm4b:s4+s2] =	stream.linear.scatter [tilespmem:s20], [sflag:$0x5], $0x2000, $0x38;
	[tilespmem:$0xE400] =	vst v63  }
0x25: {  	s8 =	simm.s32 $0x180  }
0x26: {  	[tilespmem:s26], [sflag:$0x4] =	stream.indirect.gather [hbm4b:s3+s19], $0x40, s8, s19, $0xb8;
	[tilespmem:$0xE400] =	vst v63  }
0x27: {  	_ =	swait.ge [sflag:s28], $0x2000  }
0x28: {  	[sflag:s28] =	ssyncset.done $0x0  }
0x29: {  	s6 =	rddreg [dreg:$0x4];
	[sflag:s28] =	ssyncadd.s32 $0xFFFFE000  }
0x2a: {  	[hbm4b:s6+s2] =	stream.linear.scatter [tilespmem:s21], [sflag:$0x6], $0x2000, $0x38;
	[tilespmem:$0xE400] =	vst v63  }
0x2b: {  	_ =	swait.ge [sflag:s29], $0x2000  }
0x2c: {  	[sflag:s29] =	ssyncset.done $0x0  }
0x2d: {  	s7 =	simm.s32 $0x200;
	[sflag:s29] =	ssyncadd.s32 $0xFFFFE000  }
0x2e: {  	[tilespmem:s20], [sflag:$0x1] =	stream.indirect.gather [hbm4b:s3+s19], $0x40, s7, s19, $0xb8;
	[tilespmem:$0xE400] =	vst v63  }
0x2f: {  	_ =	swait.ge [sflag:s31], $0x2000  }
0x30: {  	[sflag:s31] =	ssyncset.done $0x0  }
0x31: {  	s8 =	rddreg [dreg:$0x5];
	[sflag:s31] =	ssyncadd.s32 $0xFFFFE000  }
0x32: {  	[hbm4b:s8+s2] =	stream.linear.scatter [tilespmem:s23], [sflag:$0x7], $0x2000, $0x38;
	[tilespmem:$0xE400] =	vst v63  }
0x33: {  	_ =	swait.ge [sflag:s1], $0x2000  }
0x34: {  	[sflag:s1] =	ssyncset.done $0x0  }
0x35: {  	s6 =	simm.s32 $0x280;
	[sflag:s1] =	ssyncadd.s32 $0xFFFFE000  }
0x36: {  	[tilespmem:s21], [sflag:$0x2] =	stream.indirect.gather [hbm4b:s3+s19], $0x40, s6, s19, $0xb8;
	[tilespmem:$0xE400] =	vst v63  }
0x37: {  	_ =	swait.ge [sflag:s22], $0x2000  }
0x38: {  	[sflag:s22] =	ssyncset.done $0x0  }
0x39: {  	s7 =	rddreg [dreg:$0x6];
	[sflag:s22] =	ssyncadd.s32 $0xFFFFE000  }
0x3a: {  	[hbm4b:s7+s2] =	stream.linear.scatter [tilespmem:s26], [sflag:$0x8], $0x2000, $0x38;
	[tilespmem:$0xE400] =	vst v63  }
0x3b: {  	_ =	swait.ge [sflag:s25], $0x2000  }
0x3c: {  	[sflag:s25] =	ssyncset.done $0x0  }
0x3d: {  	s8 =	simm.s32 $0x300;
	[sflag:s25] =	ssyncadd.s32 $0xFFFFE000  }
0x3e: {  	[tilespmem:s23], [sflag:$0x3] =	stream.indirect.gather [hbm4b:s3+s19], $0x40, s8, s19, $0xb8;
	[tilespmem:$0xE400] =	vst v63  }
0x3f: {  	_ =	swait.ge [sflag:s24], $0x2000  }
0x40: {  	[sflag:s24] =	ssyncset.done $0x0  }
0x41: {  	s6 =	sadd.s32 $0x0, s14;
	[sflag:s24] =	ssyncadd.s32 $0xFFFFE000  }
0x42: {  	[hbm4b:s6+s2] =	stream.linear.scatter [tilespmem:s20], [sflag:$0x5], $0x2000, $0x38;
	[tilespmem:$0xE400] =	vst v63  }
0x43: {  	_ =	swait.ge [sflag:s30], $0x2000  }
0x44: {  	[sflag:s30] =	ssyncset.done $0x0  }
0x45: {  	s7 =	simm.s32 $0x380;
	[sflag:s30] =	ssyncadd.s32 $0xFFFFE000  }
0x46: {  	[tilespmem:s26], [sflag:$0x4] =	stream.indirect.gather [hbm4b:s3+s19], $0x40, s7, s19, $0xb8;
	[tilespmem:$0xE400] =	vst v63  }
0x47: {  	_ =	swait.ge [sflag:s28], $0x2000  }
0x48: {  	[sflag:s28] =	ssyncset.done $0x0  }
0x49: {  	s8 =	sadd.s32 $0x0, s15;
	[sflag:s28] =	ssyncadd.s32 $0xFFFFE000  }
0x4a: {  	[hbm4b:s8+s2] =	stream.linear.scatter [tilespmem:s21], [sflag:$0x6], $0x2000, $0x38;
	[tilespmem:$0xE400] =	vst v63  }
0x4b: {  	_ =	swait.ge [sflag:s29], $0x2000  }
0x4c: {  	[sflag:s29] =	ssyncset.done $0x0  }
0x4d: {  	s6 =	simm.s32 $0x400;
	[sflag:s29] =	ssyncadd.s32 $0xFFFFE000  }
0x4e: {  	[tilespmem:s20], [sflag:$0x1] =	stream.indirect.gather [hbm4b:s3+s19], $0x40, s6, s19, $0xb8;
	[tilespmem:$0xE400] =	vst v63  }
0x4f: {  	_ =	swait.ge [sflag:s31], $0x2000  }
0x50: {  	[sflag:s31] =	ssyncset.done $0x0  }
0x51: {  	s7 =	sadd.s32 $0x0, s17;
	[sflag:s31] =	ssyncadd.s32 $0xFFFFE000  }
0x52: {  	[hbm4b:s7+s2] =	stream.linear.scatter [tilespmem:s23], [sflag:$0x7], $0x2000, $0x38;
	[tilespmem:$0xE400] =	vst v63  }
0x53: {  	_ =	swait.ge [sflag:s1], $0x2000  }
0x54: {  	[sflag:s1] =	ssyncset.done $0x0  }
0x55: {  	s8 =	simm.s32 $0x480;
	[sflag:s1] =	ssyncadd.s32 $0xFFFFE000  }
0x56: {  	[tilespmem:s21], [sflag:$0x2] =	stream.indirect.gather [hbm4b:s3+s19], $0x40, s8, s19, $0xb8;
	[tilespmem:$0xE400] =	vst v63  }
0x57: {  	_ =	swait.ge [sflag:s22], $0x2000  }
0x58: {  	s5 =	simm.s32 $0x1000;
	[sflag:s22] =	ssyncset.done $0x0  }
0x59: {  	s6 =	simm.s32 $0x680;
	s7 =	sadd.s32 $0x0, s16;
	[sflag:s22] =	ssyncadd.s32 $0xFFFFE000  }
.LBB2_2:
0x5a: {  	[hbm4b:s7+s2] =	stream.linear.scatter [tilespmem:s26], [sflag:$0x8], $0x2000, $0x38;
	[tilespmem:$0xE400] =	vst v63  }
0x5b: {  	s7 =	smov.u32 s5  }
0x5c: {  	p0 =	sne.s32 s5, $0x2F000;
	s5 =	sadd.s32 $0x1000, s5;
	_ =	swait.ge [sflag:s25], $0x2000  }
0x5d: {  	[sflag:s25] =	ssyncset.done $0x0  }
0x5e: {  	s8 =	sadd.s32 $0xFFFFFE80, s6;
	[sflag:s25] =	ssyncadd.s32 $0xFFFFE000  }
0x5f: {  	[tilespmem:s23], [sflag:$0x3] =	stream.indirect.gather [hbm4b:s3+s19], $0x40, s8, s19, $0xb8;
	[tilespmem:$0xE400] =	vst v63  }
0x60: {  	_ =	swait.ge [sflag:s24], $0x2000  }
0x61: {  	[sflag:s24] =	ssyncset.done $0x0  }
0x62: {  	s8 =	sadd.s32 s7, s14;
	[sflag:s24] =	ssyncadd.s32 $0xFFFFE000  }
0x63: {  	[hbm4b:s8+s2] =	stream.linear.scatter [tilespmem:s20], [sflag:$0x5], $0x2000, $0x38;
	[tilespmem:$0xE400] =	vst v63  }
0x64: {  	_ =	swait.ge [sflag:s30], $0x2000  }
0x65: {  	[sflag:s30] =	ssyncset.done $0x0  }
0x66: {  	s8 =	sadd.s32 $0xFFFFFF00, s6;
	[sflag:s30] =	ssyncadd.s32 $0xFFFFE000  }
0x67: {  	[tilespmem:s26], [sflag:$0x4] =	stream.indirect.gather [hbm4b:s3+s19], $0x40, s8, s19, $0xb8;
	[tilespmem:$0xE400] =	vst v63  }
0x68: {  	_ =	swait.ge [sflag:s28], $0x2000  }
0x69: {  	[sflag:s28] =	ssyncset.done $0x0  }
0x6a: {  	s8 =	sadd.s32 s7, s15;
	[sflag:s28] =	ssyncadd.s32 $0xFFFFE000  }
0x6b: {  	[hbm4b:s8+s2] =	stream.linear.scatter [tilespmem:s21], [sflag:$0x6], $0x2000, $0x38;
	[tilespmem:$0xE400] =	vst v63  }
0x6c: {  	_ =	swait.ge [sflag:s29], $0x2000  }
0x6d: {  	[sflag:s29] =	ssyncset.done $0x0  }
0x6e: {  	s8 =	sadd.s32 $0xFFFFFF80, s6;
	[sflag:s29] =	ssyncadd.s32 $0xFFFFE000  }
0x6f: {  	[tilespmem:s20], [sflag:$0x1] =	stream.indirect.gather [hbm4b:s3+s19], $0x40, s8, s19, $0xb8;
	[tilespmem:$0xE400] =	vst v63  }
0x70: {  	_ =	swait.ge [sflag:s31], $0x2000  }
0x71: {  	[sflag:s31] =	ssyncset.done $0x0  }
0x72: {  	s8 =	sadd.s32 s7, s17;
	[sflag:s31] =	ssyncadd.s32 $0xFFFFE000  }
0x73: {  	[hbm4b:s8+s2] =	stream.linear.scatter [tilespmem:s23], [sflag:$0x7], $0x2000, $0x38;
	[tilespmem:$0xE400] =	vst v63  }
0x74: {  	_ =	swait.ge [sflag:s1], $0x2000  }
0x75: {  	[sflag:s1] =	ssyncset.done $0x0  }
.Ltmp0:
0x76: {  	[sflag:s1] =	ssyncadd.s32 $0xFFFFE000;
	(pc) =	sbr.rel @p0 .LBB2_2-.Ltmp0, $4  }
0x77: {  	[tilespmem:s21], [sflag:$0x2] =	stream.indirect.gather [hbm4b:s3+s19], $0x40, s6, s19, $0xb8;
	[tilespmem:$0xE400] =	vst v63  }
0x78: {  	_ =	swait.ge [sflag:s22], $0x2000  }
0x79: {  	[sflag:s22] =	ssyncset.done $0x0  }
0x7a: {  	s7 =	sadd.s32 s7, s16;
	s6 =	sadd.s32 $0x200, s6;
	[sflag:s22] =	ssyncadd.s32 $0xFFFFE000  }
0x7b: {  	[hbm4b:s7+s2] =	stream.linear.scatter [tilespmem:s26], [sflag:$0x8], $0x2000, $0x38;
	[tilespmem:$0xE400] =	vst v63  }
0x7c: {  	_ =	swait.ge [sflag:s25], $0x2000  }
0x7d: {  	[sflag:s25] =	ssyncset.done $0x0  }
0x7e: {  	s5 =	simm.s32 $0x6300;
	[sflag:s25] =	ssyncadd.s32 $0xFFFFE000  }
0x7f: {  	[tilespmem:s23], [sflag:$0x3] =	stream.indirect.gather [hbm4b:s3+s19], $0x40, s5, s19, $0xb8;
	[tilespmem:$0xE400] =	vst v63  }
0x80: {  	_ =	swait.ge [sflag:s24], $0x2000  }
0x81: {  	[sflag:s24] =	ssyncset.done $0x0  }
0x82: {  	[sflag:s24] =	ssyncadd.s32 $0xFFFFE000  }
0x83: {  	[hbm4b:s9+s2] =	stream.linear.scatter [tilespmem:s20], [sflag:$0x5], $0x2000, $0x38;
	[tilespmem:$0xE400] =	vst v63  }
0x84: {  	_ =	swait.ge [sflag:s30], $0x2000  }
0x85: {  	[sflag:s30] =	ssyncset.done $0x0  }
0x86: {  	s8 =	simm.s32 $0x6380;
	[sflag:s30] =	ssyncadd.s32 $0xFFFFE000  }
0x87: {  	[tilespmem:s26], [sflag:$0x4] =	stream.indirect.gather [hbm4b:s3+s19], $0x40, s8, s19, $0xb8;
	[tilespmem:$0xE400] =	vst v63  }
0x88: {  	_ =	swait.ge [sflag:s28], $0x2000  }
0x89: {  	[sflag:s28] =	ssyncset.done $0x0  }
0x8a: {  	[sflag:s28] =	ssyncadd.s32 $0xFFFFE000  }
0x8b: {  	[hbm4b:s10+s2] =	stream.linear.scatter [tilespmem:s21], [sflag:$0x6], $0x2000, $0x38;
	[tilespmem:$0xE400] =	vst v63  }
0x8c: {  	_ =	swait.ge [sflag:s31], $0x2000  }
0x8d: {  	[sflag:s31] =	ssyncset.done $0x0  }
0x8e: {  	[sflag:s31] =	ssyncadd.s32 $0xFFFFE000  }
0x8f: {  	[hbm4b:s11+s2] =	stream.linear.scatter [tilespmem:s23], [sflag:$0x7], $0x2000, $0x38;
	[tilespmem:$0xE400] =	vst v63  }
0x90: {  	_ =	swait.ge [sflag:s22], $0x2000  }
0x91: {  	[sflag:s22] =	ssyncset.done $0x0  }
0x92: {  	[sflag:s22] =	ssyncadd.s32 $0xFFFFE000  }
0x93: {  	[hbm4b:s12+s2] =	stream.linear.scatter [tilespmem:s26], [sflag:$0x8], $0x2000, $0x38;
	[tilespmem:$0xE400] =	vst v63  }
0x94: {  	_ =	swait.ge [sflag:s29], $0x2000  }
0x95: {  	[sflag:s29] =	ssyncset.done $0x0  }
0x96: {  	[sflag:s29] =	ssyncadd.s32 $0xFFFFE000  }
0x97: {  	_ =	swait.ge [sflag:s1], $0x2000  }
0x98: {  	[sflag:s1] =	ssyncset.done $0x0  }
0x99: {  	s0 =	sadd.s32 $0x1, s0;
	[sflag:s1] =	ssyncadd.s32 $0xFFFFE000  }
0x9a: {  	p0 =	sne.s32 s0, s13;
	_ =	swait.ge [sflag:s25], $0x2000  }
.Ltmp1:
0x9b: {  	[sflag:s25] =	ssyncset.done $0x0;
	(pc) =	sbr.rel @p0 .LBB2_1-.Ltmp1, $4  }
0x9c: {  	[sflag:s25] =	ssyncadd.s32 $0xFFFFE000  }
0x9d: {  	_ =	swait.ge [sflag:s30], $0x2000  }
0x9e: {  	[sflag:s30] =	ssyncset.done $0x0  }
0x9f: {  	[sflag:s30] =	ssyncadd.s32 $0xFFFFE000  }
0xa0: {  	_ =	sfence.sel $0x180000  }
0xa1: {  	[bflag:$0x0] =	sbarrier.arrive $0xFFFF  }
0xa2: {  	_ =	strace $0x90000047  }
0xa3: {  	s0 =	stileid.u32;
	[bflag:$0x2] =	sbarrier.arrive $0xFFFF  }
0xa4: {  	p0 =	sne.s32 s0, $0x0;
	s0 =	rddreg [dreg:$0x2]  }
0xa5: {  	s0 =	sadd.s32 @!p0 $0x100000, s0  }
0xa6: {  	[sflag:s0] =	ssyncadd.tile.s32 @!p0 $0x1;
	_ =	shalt  }
.Lfunc_end2:
_tile_overlayer_lowered:
.L_overlay_start_2:
0xa7: {  	(tag) =	ssettag $0x2  }
0xa8: {  	s0 =	rddreg [dreg:$0x0];
	s2 =	stileid.u32  }
0xa9: {  	s1 =	rddreg [dreg:$0x1];
	p0 =	sne.s32 s2, $0x0  }
0xaa: {  	s3 =	rddreg [dreg:$0x2];
	[bflag:$0x3] =	sbarrier.arrive $0xFFFF;
	s2 =	simm.s32 @!p0 $0x1C09  }
0xab: {  	[timem:s3], [sflag:s2] =	dma.local @!p0 [hbm:s0], s1  }
0xac: {  	s0 =	simm.s32 @!p0 $0x9  }
0xad: {  	_ =	swait.ge @!p0 [sflag:s0], s1  }
0xae: {  	s1 =	ssub.s32 @!p0 $0x0, s1;
	[sflag:s0] =	ssyncset.done @!p0 $0x0  }
0xaf: {  	[sflag:s0] =	ssyncadd.s32 @!p0 s1  }
0xb0: {  	[bflag:$0x3] =	sbarrier.arrive $0xFFFF  }
0xb1: {  	_ =	shalt  }

// kernel: sparse-core-data-format-call.cloned.1.call-start
scs
called_computation_lowered:
.L_overlay_start_0:
0x0: {  	s2 =	sld [smem:$0x3FD9]  }
0x1: {  	s3 =	sld [smem:$0x3FFE];
	_ =	sdelay $0x1  }
0x2: {  	s1 =	srdreg.scid  }
0x3: {  	s0 =	sand.u32 $0x1, s1  }
0x4: {  	s18 =	sshll.u32 s0, $0xA;
	s2 =	sadd.s32 s3, s2  }
0x5: {  	s2 =	sadd.s32 s2, s18  }
0x6: {  	[smem:$0x3FC6] =	sst s2  }
0x7: {  	_ = 	snop  }
0x8: {  	s2 =	sld [smem:$0x3FD0];
	(tm) =	ssettm $0x1  }
0x9: {  	s19 =	sld [smem:$0x3FFB];
	_ =	sdelay $0x3  }
0xa: {  	_ =	strace s19  }
0xb: {  	s3 =	sld [smem:$0x3FFC];
	_ =	sdelay $0x3  }
0xc: {  	_ =	strace s3  }
0xd: {  	s3 =	sld [smem:$0x3FFD];
	_ =	sdelay $0x3  }
0xe: {  	_ =	strace s3  }
0xf: {  	_ =	strace $0x8FFFFFFF  }
0x10: {  	s20 =	sld [smem:$0x3FDB];
	_ =	sdelay $0x1  }
0x11: {  	s4 =	simm.s32 $_scs_section_size  }
0x12: {  	s5 =	simm.s32 $_size__tile_overlayer_lowered;
	s6 =	simm.s32 $_tile_overlayer_lowered  }
0x13: {  	s23 =	simm.s32 $0x1BFF;
	s22 =	sshll.u32 s6, $0x1;
	s3 =	sadd.s32 s4, s20  }
0x14: {  	s7 =	simm.s32 $0x0;
	s21 =	sshll.u32 s5, $0x1;
	s5 =	sadd.s32 s22, s3  }
0x15: {  	[timem:s7], [sflag:s23] =	dma.local [hbm:s5], s21  }
0x16: {  	_ =	swait.ge [sflag:s23], s21  }
0x17: {  	s4 =	ssub.s32 $0x0, s21;
	[sflag:s23] =	ssyncset.done $0x0  }
0x18: {  	[sflag:s23] =	ssyncadd.s32 s4;
	_ =	sdelay $0x1  }
0x19: {  	s24 =	simm.s32 $0x1B8B  }
0x1a: {  	_ =	swait.ge [sflag:s24], $0x1  }
0x1b: {  	[sflag:s24] =	ssyncset.done $0x0  }
0x1c: {  	s26 =	simm.s32 $0x1B8E;
	s25 =	sld [smem:$0x3FFE];
	[sflag:s24] =	ssyncadd.s32 $0xFFFFFFFF  }
0x1d: {  	s27 =	simm.s32 $execute0_lowered;
	[smem:$0x3FD2] =	sst s26  }
0x1e: {  	s5 =	sshll.u32 s27, $0x1;
	_ =	strace $0x80000049;
	[dreg:$0x1] =	wrdreg $0xFFFFFFFF  }
0x1f: {  	s28 =	simm.s32 $_size_execute0_lowered;
	s3 =	sadd.s32 s3, s5;
	[dreg:$0x0] =	wrdreg $0x0  }
0x20: {  	s5 =	sshll.u32 s28, $0x1;
	[dreg:$0x2] =	wrdreg s3  }
0x21: {  	[dreg:$0x3] =	wrdreg s5  }
0x22: {  	[dreg:$0x4] =	wrdreg $0xC0  }
0x23: {  	_ =	task [dreg:s7], $0x5FFFF  }
0x24: {  	[dreg:$0x1] =	wrdreg $0xFFFFFFFF  }
0x25: {  	[dreg:$0x0] =	wrdreg $0x60  }
0x26: {  	[dreg:$0x2] =	wrdreg s25  }
0x27: {  	[dreg:$0x3] =	wrdreg s2  }
0x28: {  	[dreg:$0x4] =	wrdreg $0x9  }
0x29: {  	_ =	task.clear_ibuf [dreg:s7], $0x5FFFF;
	_ =	strace $0x90000049  }
0x2a: {  	s29 =	simm.s32 $0x9;
	_ =	strace $0x8000004B  }
0x2b: {  	_ =	swait.ge [sflag:s29], $0x1  }
0x2c: {  	[sflag:s29] =	ssyncadd.s32 $0xFFFFFFFF  }
0x2d: {  	_ =	strace $0x9000004B  }
0x2e: {  	_ =	sfence  }
0x2f: {  	s30 =	sld [smem:$0x0];
	_ =	sdelay $0x2  }
0x30: {  	s31 =	sshll.u32 s1, $0xD;
	s1 =	sshrl.u32 s1, $0x2  }
0x31: {  	s3 =	sand.u32 $0x4000, s31;
	s1 =	sadd.s32 s1, s30  }
0x32: {  	s0 =	sor.u32 s3, s0;
	s1 =	sshll.u32 s1, $0x11  }
0x33: {  	s0 =	sor.u32 s1, s0  }
0x34: {  	s0 =	sadd.s32 $0x8F2B, s0  }
0x35: {  	[sflag:s0] =	ssyncadd.remote.s32 $0x1  }
0x36: {  	_ =	sfence.sel $0xFFFF  }
0x37: {  	[dreg:$0x0] =	wrdreg $0xFFFFFFFF;
	(pc) =	sbr.abs _section_cstart, $3  }
0x38: {  	[dreg:$0x1] =	wrdreg $0xFFFFFFFF  }
0x39: {  	_ =	task.clear_ibuf [dreg:s7], $0x2FFFF;
	_ =	strace $0x9FFFFFFF  }
0x3a: {  	(tm) =	ssettm $0x7FFFFFFF  }
0x3b: {  	_ =	shalt  }
tec
execute0_lowered:
.L_overlay_start_1:
0x0: {  	(tag) =	ssettag $0x1  }
0x1: {  	s0 =	srdreg.scid  }
0x2: {  	s1 =	sshll.u32 s0, $0x4  }
0x3: {  	s0 =	stileid.u32;
	s1 =	sand.u32 $0x10, s1  }
0x4: {  	s1 =	sor.u32 s0, s1  }
0x5: {  	s6 =	rddreg [dreg:$0x0];
	s4 =	simm.s32 $0x1;
	s2 =	sshll.u32 s1, $0x7  }
0x6: {  	s7 =	simm.s32 $0x2;
	s12 =	simm.s32 $0x0;
	s1 =	ssub.s32 $0x4000, s2  }
0x7: {  	s8 =	simm.s32 $0x20000;
	s13 =	simm.s32 $0x0;
	s3 =	sand.u32 $0xF80, s1  }
0x8: {  	s9 =	simm.s32 $0x0;
	s5 =	sshrl.u32 s1, $0xC;
	p0 =	sne.s32 s3, $0x0  }
.Ltmp0:
0x9: {  	s1 =	rddreg [dreg:$0x2];
	s4 =	simm.s32 @!p0 $0x0;
	(pc) =	sbr.rel .LBB1_1-.Ltmp0, $4  }
0xa: {  	s11 =	simm.s32 $0x0;
	s3 =	rddreg [dreg:$0x1];
	s5 =	sadd.s32 s4, s5  }
0xb: {  	_ =	strace $0x8000004A;
	s4 =	simm.s32 $0x1;
	s5 =	smul.u32 $0x32, s5  }
0xc: {  	s6 =	sadd.s32 $0xA00, s6;
	s10 =	smov.u32 s2;
	[sflag:s4] =	ssyncpa.u1 $0x0  }
0xd: {  	p0 =	por $0x0, $0x0;
	[sflag:s7] =	ssyncpa.u1 $0x0;
	s7 =	sor.u32 $0x1, s5  }
.LBB1_4:
0xe: {  	s16 =	sshll.u32 s13, $0x3;
	s17 =	sand.u32 $0x78, s13  }
0xf: {  	s30 =	sand.u32 $0x1F800, s13;
	s12 =	sshll.u32 s12, $0x11;
	s16 =	sand.u32 $0x3C00, s16  }
0x10: {  	[tilespmem:s15+$0x810 ss:$0x81] =	vst.msk $0xffff, v2;
	s31 =	sand.u32 $0x7, s13;
	s16 =	sor.u32 s17, s16;
	s17 =	sadd.s32 s3, s30  }
0x11: {  	[tilespmem:s15+$0x1020 ss:$0x81] =	vst.msk $0xffff, v0;
	s13 =	sshll.u32 s31, $0x12;
	s12 =	sadd.s32 s12, s17;
	s16 =	sshrl.u32 s16, $0x3  }
0x12: {  	[tilespmem:s15+$0x0 ss:$0x81] =	vst.msk $0xffff, v1;
	s13 =	sor.u32 $0x400, s13;
	s12 =	sadd.s32 s16, s12  }
0x13: {  	[hbm4b:s12+s13] =	stream.strided.scatter [tilespmem:s14], [sflag:$0x2], $0x2000, s8, s13, $0x20;
	[tilespmem:$0x8080] =	vst v63  }
.LBB1_5:
0x14: {  	s14 =	sadd.s32 $0x1, s9  }
0x15: {  	s12 =	sadd.s32 $0x1000, s10;
	s16 =	smov.u32 s10;
	p2 =	sgt.s32 s14, $0x31  }
0x16: {  	s16 =	smov.u32 @p2 s12  }
0x17: {  	s14 =	simm.s32 @p2 $0x0;
	p2 =	sgt.s32 s16, $0x3FFF  }
0x18: {  	s16 =	smov.u32 @p2 s2;
	p2 =	sne.s32 s11, s7  }
.Ltmp1:
0x19: {  	p1 =	slt.u32 s11, $0x2;
	(pc) =	sbr.rel @!p2 .LBB1_6-.Ltmp1, $4  }
0x1a: {  	s15 =	simm.s32 @!p1 $0x2  }
0x1b: {  	s13 =	smov.u32 s10;
	p0 =	por !p0, !p0;
	_ =	swait.ge @!p1 [sflag:s15], $0x2000  }
0x1c: {  	s12 =	smov.u32 s9;
	[sflag:s15] =	ssyncset.done @!p1 $0x0;
	s9 =	smov.u32 s14  }
0x1d: {  	s11 =	sadd.s32 $0x1, s11;
	[sflag:s15] =	ssyncadd.s32 @!p1 $0xFFFFE000;
	s10 =	smov.u32 s16  }
.LBB1_1:
0x1e: {  	p1 =	sge.u32 s11, s5  }
0x1f: {  	s14 =	sand.u32 @!p1 $0x1FFFFFF, s9  }
0x20: {  	s15 =	smulhi.u32 @!p1 $0x4924925, s14;
	_ =	sdelay $0x1  }
0x21: {  	s15 =	smul.u32 @!p1 $0x38, s15  }
0x22: {  	s16 =	sxor.u32 @!p1 $0xFFFFFFFF, s11;
	s17 =	smul.u32 @!p1 $0x380, s10  }
0x23: {  	s31 =	sadd.s32 $0xFFFFFFFF, s11;
	s16 =	sshll.u32 @!p1 s16, $0xD;
	s14 =	ssub.s32 @!p1 s14, s15  }
0x24: {  	s15 =	sand.u32 @!p1 $0x2000, s16;
	s16 =	sadd.s32 @!p1 s6, s17;
	s14 =	sshll.u32 @!p1 s14, $0x4  }
0x25: {  	s17 =	simm.s32 @!p1 $0x1C00;
	s14 =	sadd.s32 @!p1 s14, s16;
	s16 =	simm.s32 @!p1 $0x40  }
0x26: {  	[tilespmem:s15], [sflag:$0x1] =	stream.strided.gather @!p1 [hbm4b:s14+s16], $0x2000, s17, s16, $0x38;
	[tilespmem:$0x8080] =	vst v63  }
0x27: {  	p1 =	sge.u32 s31, s5  }
.Ltmp2:
0x28: {  	_ = 	snop;
	(pc) =	sbr.rel @p1 .LBB1_5-.Ltmp2, $1  }
0x29: {  	_ =	sdelay $0x3  }
0x2a: {  	s14 =	simm.s32 $0x1  }
0x2b: {  	_ =	swait.ge [sflag:s4], $0x2000;
	s14 =	simm.s32 @!p0 $0x0  }
0x2c: {  	[sflag:s4] =	ssyncset.done $0x0;
	s15 =	sshll.u32 s14, $0xD  }
0x2d: {  	[sflag:s4] =	ssyncadd.s32 $0xFFFFE000;
	s18 =	sor.u32 $0x20, s15  }
0x2e: {  	s14 =	smul.u32 $0x8100, s14;
	v3 =	vld [tilespmem:s18+$0x10]  }
0x2f: {  	s30 =	sand.u32 $0x1, s11;
	v2 =	vld [tilespmem:s18+$0xFFFFFFF0]  }
0x30: {  	s15 =	smul.u32 $0x8100, s30;
	s14 =	sshrl.u32 s14, $0x2;
	v0 =	vld [tilespmem:s18+$0x0]  }
0x31: {  	v1 =	vld [tilespmem:s18+$0xFFFFFFE0];
	s16 =	sor.u32 $0x4000, s14  }
0x32: {  	s31 =	sshrl.u32 s15, $0x2;
	s15 =	sadd.s32 $0x0, s16  }
0x33: {  	s17 =	simm.s32 $0x4;
	s18 =	sadd.s32 $0x40, s18;
	s14 =	sor.u32 $0x4000, s31;
	[tilespmem:s15+$0x1830 ss:$0x81] =	vst.msk $0xffff, v3  }
.LBB1_3:
0x34: {  	v3 =	vld [tilespmem:s18+$0x10];
	p1 =	sne.s32 s17, $0x1FC;
	[tilespmem:s15+$0x810 ss:$0x81] =	vst.msk $0xffff, v2;
	s19 =	smov.u32 s17;
	s17 =	sadd.s32 $0x4, s17  }
.Ltmp3:
0x35: {  	v2 =	vld [tilespmem:s18+$0xFFFFFFF0];
	[tilespmem:s15+$0x1020 ss:$0x81] =	vst.msk $0xffff, v0;
	(pc) =	sbr.rel @p1 .LBB1_3-.Ltmp3, $4  }
0x36: {  	v0 =	vld [tilespmem:s18+$0x0];
	[tilespmem:s15+$0x0 ss:$0x81] =	vst.msk $0xffff, v1  }
0x37: {  	s15 =	sshra.s32 s19, $0x2;
	v1 =	vld [tilespmem:s18+$0xFFFFFFE0]  }
0x38: {  	s15 =	sadd.s32 s15, s16  }
0x39: {  	s18 =	sadd.s32 $0x40, s18;
	[tilespmem:s15+$0x1830 ss:$0x81] =	vst.msk $0xffff, v3  }
.Ltmp4:
0x3a: {  	_ = 	snop;
	(pc) =	sbr.rel .LBB1_4-.Ltmp4, $1  }
0x3b: {  	_ =	sdelay $0x3  }
.LBB1_6:
0x3c: {  	_ =	sfence.sel $0x180000  }
0x3d: {  	s2 =	simm.s32 $0x1;
	[bflag:$0x0] =	sbarrier.arrive $0xFFFF  }
0x3e: {  	s31 =	simm.s32 $0x2;
	[sflag:s2] =	ssyncpa.u1 $0x1  }
0x3f: {  	[sflag:s31] =	ssyncpa.u1 $0x1  }
0x40: {  	p0 =	sne.s32 s0, $0x0;
	_ =	strace $0x9000004A  }
0x41: {  	s0 =	sadd.s32 @!p0 $0x100000, s1;
	[bflag:$0x2] =	sbarrier.arrive $0xFFFF  }
0x42: {  	[sflag:s0] =	ssyncadd.tile.s32 @!p0 $0x1;
	_ =	shalt  }
.Lfunc_end1:
_tile_overlayer_lowered:
.L_overlay_start_2:
0x43: {  	(tag) =	ssettag $0x2  }
0x44: {  	s0 =	rddreg [dreg:$0x0];
	s2 =	stileid.u32  }
0x45: {  	s1 =	rddreg [dreg:$0x1];
	p0 =	sne.s32 s2, $0x0  }
0x46: {  	s3 =	rddreg [dreg:$0x2];
	[bflag:$0x3] =	sbarrier.arrive $0xFFFF;
	s2 =	simm.s32 @!p0 $0x1C01  }
0x47: {  	[timem:s3], [sflag:s2] =	dma.local @!p0 [hbm:s0], s1  }
0x48: {  	s0 =	simm.s32 @!p0 $0x1  }
0x49: {  	_ =	swait.ge @!p0 [sflag:s0], s1  }
0x4a: {  	s1 =	ssub.s32 @!p0 $0x0, s1;
	[sflag:s0] =	ssyncset.done @!p0 $0x0  }
0x4b: {  	[sflag:s0] =	ssyncadd.s32 @!p0 s1  }
0x4c: {  	[bflag:$0x3] =	sbarrier.arrive $0xFFFF  }
0x4d: {  	_ =	shalt  }

</sc_bundles>
